<compile_context>
chip_gen: v7x
topology: tpu7x:2x2x1
jax: 0.10.2.dev20260603
libtpu: 0.0.44.dev20260713+nightly
codegen_flags: <defaults>
</compile_context>

<pallas_src>
import functools
import jax
import jax.numpy as jnp
from jax import lax
from jax.experimental import pallas as pl
from jax.experimental.pallas import tpu as pltpu
from jax.experimental.pallas import tpu_sc as plsc

NC, NS, L = 2, 16, 16
NW = NC * NS
ROWS, COLS = 4096, 200
D = 20
IW = ROWS // NW
JW = 40
NBLK = COLS // JW
NGJ = IW // L

_mesh = plsc.VectorSubcoreMesh(core_axis_name="c", subcore_axis_name="s")


@functools.partial(
    pl.kernel,
    out_type=jax.ShapeDtypeStruct((D, COLS, ROWS), jnp.float32),
    mesh=_mesh,
    compiler_params=pltpu.CompilerParams(needs_layout_passes=False),
    scratch_types=[
        pltpu.VMEM((COLS, IW), jnp.int32),
        pltpu.VMEM((D, JW, IW), jnp.float32),
        pltpu.SemaphoreType.DMA,
    ],
)
def _onehot(idx_hbm, out_hbm, idx_v, buf, sem):
    wid = lax.axis_index("s") * NC + lax.axis_index("c")
    i0 = wid * IW
    zeros = jnp.zeros((L,), jnp.float32)
    ones = jnp.ones((L,), jnp.float32)
    lanes = [lax.iota(jnp.int32, L) + g * L for g in range(NGJ)]

    @plsc.parallel_loop(0, D * JW, unroll=2)
    def _(t):
        k = t // JW
        j = t % JW
        for g in range(NGJ):
            buf[k, j, pl.ds(g * L, L)] = zeros

    pltpu.sync_copy(idx_hbm.at[:, pl.ds(i0, IW)], idx_v)

    def scatter_pass(j0, val):
        @plsc.parallel_loop(0, JW, unroll=2)
        def _(j):
            jsplat = jnp.full((L,), 0, jnp.int32) + j
            for g in range(NGJ):
                idxv = idx_v[j0 + j, pl.ds(g * L, L)]
                plsc.store_scatter(buf, [idxv, jsplat, lanes[g]], val)

    def cbody(c, carry):
        j0 = pl.multiple_of(c * JW, 8)
        scatter_pass(j0, ones)
        pltpu.sync_copy(buf, out_hbm.at[:, pl.ds(j0, JW), pl.ds(i0, IW)])
        scatter_pass(j0, zeros)
        return carry

    lax.fori_loop(0, NBLK, cbody, 0)


def kernel(indices, table):
    del table
    out = _onehot(indices.T)
    return out.transpose(2, 1, 0)

# --- scband reference (transcript-rebuilt; emitter-appended) ---
"""Pipeline reference for scband-one-hot-encoder-40303973106303 (READ-ONLY COPY).

The authoritative reference and input builder live on the scoring server;
editing this copy changes nothing except your own understanding.
"""

import jax, jax.numpy as jnp
import numpy as np


def setup_inputs(seed: int = 0) -> dict:
    key = jax.random.key(seed)
    # Token indices standing in for protein letters mapped to [0, 20)
    indices = jax.random.randint(jax.random.fold_in(key, 0), (4096, 200), 0, 20, dtype=jnp.int32)
    # The module's dict for 'protein' is rows of np.eye(20): a fixed one-hot codebook
    table = jnp.eye(20, dtype=jnp.float32)
    return {"indices": indices, "table": table}


def reference(indices, table):
    # Faithful translation: torch.tensor([dict[letter] for letter in x])
    # == row-gather from the 20x20 identity one-hot table
    return jnp.take(table, indices, axis=0)

if __name__ == "__main__":
    import jax
    _d = setup_inputs()
    print(jax.jit(kernel)(*tuple(_d.values())))

</pallas_src>

<mosaic_0001>
#map = affine_map<(d0, d1) -> (0, 0)>
#map1 = affine_map<(d0, d1) -> (0, 0, 0)>
module attributes {stable_mosaic.version = 14 : i64} {
  func.func @_onehot(%arg0: i32, %arg1: i32, %arg2: memref<200x4096xi32, #tpu.memory_space<hbm>>, %arg3: memref<20x200x4096xf32, #tpu.memory_space<hbm>>, %arg4: memref<200x128xi32, #tpu.memory_space<vmem>>, %arg5: memref<20x40x128xf32, #tpu.memory_space<vmem>>, %arg6: memref<!tpu.dma_semaphore, #tpu.memory_space<semaphore_mem>>) attributes {dimension_semantics = [#tpu.dimension_semantics<core_parallel>, #tpu.dimension_semantics<subcore_parallel>], iteration_bounds = array<i64: 2, 16>, scalar_prefetch = 0 : i64, scratch_operands = 3 : i64, tpu.core_type = #tpu.core_type<sc_vector_subcore>, window_params = [{transform_indices = #map}, {transform_indices = #map1}]} {
    %mul3A = arith.constant 2 : i32
    %mul3A_0 = arith.muli %arg1, %mul3A : i32
    %add3A = arith.addi %mul3A_0, %arg0 : i32
    %mul3A_1 = arith.constant 128 : i32
    %mul3A_2 = arith.muli %add3A, %mul3A_1 : i32
    %broadcast_in_dim3A = arith.constant 0.000000e+00 : f32
    %broadcast_in_dim3A_3 = vector.broadcast %broadcast_in_dim3A : f32 to vector<16xf32>
    %broadcast_in_dim3A_4 = arith.constant 1.000000e+00 : f32
    %broadcast_in_dim3A_5 = vector.broadcast %broadcast_in_dim3A_4 : f32 to vector<16xf32>
    %iota3A = tpu.iota {dimensions = array<i32: 0>} : vector<16xi32>
    %add3A_6 = arith.constant 0 : i32
    %add3A_7 = vector.broadcast %add3A_6 : i32 to vector<16xi32>
    %add3A_8 = arith.addi %iota3A, %add3A_7 : vector<16xi32>
    %iota3A_9 = tpu.iota {dimensions = array<i32: 0>} : vector<16xi32>
    %add3A_10 = arith.constant 16 : i32
    %add3A_11 = vector.broadcast %add3A_10 : i32 to vector<16xi32>
    %add3A_12 = arith.addi %iota3A_9, %add3A_11 : vector<16xi32>
    %iota3A_13 = tpu.iota {dimensions = array<i32: 0>} : vector<16xi32>
    %add3A_14 = arith.constant 32 : i32
    %add3A_15 = vector.broadcast %add3A_14 : i32 to vector<16xi32>
    %add3A_16 = arith.addi %iota3A_13, %add3A_15 : vector<16xi32>
    %iota3A_17 = tpu.iota {dimensions = array<i32: 0>} : vector<16xi32>
    %add3A_18 = arith.constant 48 : i32
    %add3A_19 = vector.broadcast %add3A_18 : i32 to vector<16xi32>
    %add3A_20 = arith.addi %iota3A_17, %add3A_19 : vector<16xi32>
    %iota3A_21 = tpu.iota {dimensions = array<i32: 0>} : vector<16xi32>
    %add3A_22 = arith.constant 64 : i32
    %add3A_23 = vector.broadcast %add3A_22 : i32 to vector<16xi32>
    %add3A_24 = arith.addi %iota3A_21, %add3A_23 : vector<16xi32>
    %iota3A_25 = tpu.iota {dimensions = array<i32: 0>} : vector<16xi32>
    %add3A_26 = arith.constant 80 : i32
    %add3A_27 = vector.broadcast %add3A_26 : i32 to vector<16xi32>
    %add3A_28 = arith.addi %iota3A_25, %add3A_27 : vector<16xi32>
    %iota3A_29 = tpu.iota {dimensions = array<i32: 0>} : vector<16xi32>
    %add3A_30 = arith.constant 96 : i32
    %add3A_31 = vector.broadcast %add3A_30 : i32 to vector<16xi32>
    %add3A_32 = arith.addi %iota3A_29, %add3A_31 : vector<16xi32>
    %iota3A_33 = tpu.iota {dimensions = array<i32: 0>} : vector<16xi32>
    %add3A_34 = arith.constant 112 : i32
    %add3A_35 = vector.broadcast %add3A_34 : i32 to vector<16xi32>
    %add3A_36 = arith.addi %iota3A_33, %add3A_35 : vector<16xi32>
    %parallel_loop3A = arith.constant 0 : i32
    %parallel_loop3A_37 = arith.constant 800 : i32
    %parallel_loop3A_38 = arith.constant 1 : i32
    scf.for %parallel_loop3A_44 = %parallel_loop3A to %parallel_loop3A_37 step %parallel_loop3A_38  : i32 {
      %parallel_loop3A_45 = arith.constant 40 : i32
      %parallel_loop3A_46 = arith.divsi %parallel_loop3A_44, %parallel_loop3A_45 : i32
      %parallel_loop3A_47 = arith.constant 0 : i32
      %parallel_loop3A_48 = arith.cmpi sgt, %parallel_loop3A_44, %parallel_loop3A_47 : i32
      %parallel_loop3A_49 = arith.extui %parallel_loop3A_48 : i1 to i32
      %parallel_loop3A_50 = arith.constant 0 : i32
      %parallel_loop3A_51 = arith.cmpi slt, %parallel_loop3A_44, %parallel_loop3A_50 : i32
      %parallel_loop3A_52 = arith.extui %parallel_loop3A_51 : i1 to i32
      %parallel_loop3A_53 = arith.subi %parallel_loop3A_49, %parallel_loop3A_52 : i32
      %parallel_loop3A_54 = arith.constant 0 : i32
      %parallel_loop3A_55 = arith.cmpi sgt, %parallel_loop3A_45, %parallel_loop3A_54 : i32
      %parallel_loop3A_56 = arith.extui %parallel_loop3A_55 : i1 to i32
      %parallel_loop3A_57 = arith.constant 0 : i32
      %parallel_loop3A_58 = arith.cmpi slt, %parallel_loop3A_45, %parallel_loop3A_57 : i32
      %parallel_loop3A_59 = arith.extui %parallel_loop3A_58 : i1 to i32
      %parallel_loop3A_60 = arith.subi %parallel_loop3A_56, %parallel_loop3A_59 : i32
      %parallel_loop3A_61 = arith.cmpi ne, %parallel_loop3A_53, %parallel_loop3A_60 : i32
      %parallel_loop3A_62 = arith.remsi %parallel_loop3A_44, %parallel_loop3A_45 : i32
      %parallel_loop3A_63 = arith.constant 0 : i32
      %parallel_loop3A_64 = arith.cmpi ne, %parallel_loop3A_62, %parallel_loop3A_63 : i32
      %parallel_loop3A_65 = arith.andi %parallel_loop3A_61, %parallel_loop3A_64 : i1
      %parallel_loop3A_66 = arith.constant 1 : i32
      %parallel_loop3A_67 = arith.subi %parallel_loop3A_46, %parallel_loop3A_66 : i32
      %parallel_loop3A_68 = arith.select %parallel_loop3A_65, %parallel_loop3A_67, %parallel_loop3A_46 : i32
      %parallel_loop3A_69 = arith.constant 40 : i32
      %parallel_loop3A_70 = arith.constant 0 : i32
      %parallel_loop3A_71 = arith.cmpi eq, %parallel_loop3A_69, %parallel_loop3A_70 : i32
      %parallel_loop3A_72 = arith.constant 1 : i32
      %parallel_loop3A_73 = arith.select %parallel_loop3A_71, %parallel_loop3A_72, %parallel_loop3A_69 : i32
      %parallel_loop3A_74 = arith.remsi %parallel_loop3A_44, %parallel_loop3A_73 : i32
      %parallel_loop3A_75 = arith.constant 0 : i32
      %parallel_loop3A_76 = arith.cmpi ne, %parallel_loop3A_74, %parallel_loop3A_75 : i32
      %parallel_loop3A_77 = arith.constant 0 : i32
      %parallel_loop3A_78 = arith.cmpi slt, %parallel_loop3A_74, %parallel_loop3A_77 : i32
      %parallel_loop3A_79 = arith.constant 0 : i32
      %parallel_loop3A_80 = arith.cmpi slt, %parallel_loop3A_73, %parallel_loop3A_79 : i32
      %parallel_loop3A_81 = arith.xori %parallel_loop3A_78, %parallel_loop3A_80 : i1
      %parallel_loop3A_82 = arith.andi %parallel_loop3A_81, %parallel_loop3A_76 : i1
      %parallel_loop3A_83 = arith.addi %parallel_loop3A_74, %parallel_loop3A_73 : i32
      %parallel_loop3A_84 = arith.select %parallel_loop3A_82, %parallel_loop3A_83, %parallel_loop3A_74 : i32
      %parallel_loop3A_85 = arith.index_cast %parallel_loop3A_68 : i32 to index
      %parallel_loop3A_86 = arith.index_cast %parallel_loop3A_84 : i32 to index
      %parallel_loop3A_87 = arith.constant 0 : index
      %parallel_loop3A_88 = tpu.vector_load %arg5[%parallel_loop3A_85, %parallel_loop3A_86, %parallel_loop3A_87] {strides = array<i32>} : memref<20x40x128xf32, #tpu.memory_space<vmem>>, vector<16xf32>,
      tpu.vector_store %arg5[%parallel_loop3A_85, %parallel_loop3A_86, %parallel_loop3A_87], %broadcast_in_dim3A_3 {strides = array<i32>} : memref<20x40x128xf32, #tpu.memory_space<vmem>>, vector<16xf32>,
      %parallel_loop3A_89 = arith.index_cast %parallel_loop3A_68 : i32 to index
      %parallel_loop3A_90 = arith.index_cast %parallel_loop3A_84 : i32 to index
      %parallel_loop3A_91 = arith.constant 16 : index
      %parallel_loop3A_92 = tpu.vector_load %arg5[%parallel_loop3A_89, %parallel_loop3A_90, %parallel_loop3A_91] {strides = array<i32>} : memref<20x40x128xf32, #tpu.memory_space<vmem>>, vector<16xf32>,
      tpu.vector_store %arg5[%parallel_loop3A_89, %parallel_loop3A_90, %parallel_loop3A_91], %broadcast_in_dim3A_3 {strides = array<i32>} : memref<20x40x128xf32, #tpu.memory_space<vmem>>, vector<16xf32>,
      %parallel_loop3A_93 = arith.index_cast %parallel_loop3A_68 : i32 to index
      %parallel_loop3A_94 = arith.index_cast %parallel_loop3A_84 : i32 to index
      %parallel_loop3A_95 = arith.constant 32 : index
      %parallel_loop3A_96 = tpu.vector_load %arg5[%parallel_loop3A_93, %parallel_loop3A_94, %parallel_loop3A_95] {strides = array<i32>} : memref<20x40x128xf32, #tpu.memory_space<vmem>>, vector<16xf32>,
      tpu.vector_store %arg5[%parallel_loop3A_93, %parallel_loop3A_94, %parallel_loop3A_95], %broadcast_in_dim3A_3 {strides = array<i32>} : memref<20x40x128xf32, #tpu.memory_space<vmem>>, vector<16xf32>,
      %parallel_loop3A_97 = arith.index_cast %parallel_loop3A_68 : i32 to index
      %parallel_loop3A_98 = arith.index_cast %parallel_loop3A_84 : i32 to index
      %parallel_loop3A_99 = arith.constant 48 : index
      %parallel_loop3A_100 = tpu.vector_load %arg5[%parallel_loop3A_97, %parallel_loop3A_98, %parallel_loop3A_99] {strides = array<i32>} : memref<20x40x128xf32, #tpu.memory_space<vmem>>, vector<16xf32>,
      tpu.vector_store %arg5[%parallel_loop3A_97, %parallel_loop3A_98, %parallel_loop3A_99], %broadcast_in_dim3A_3 {strides = array<i32>} : memref<20x40x128xf32, #tpu.memory_space<vmem>>, vector<16xf32>,
      %parallel_loop3A_101 = arith.index_cast %parallel_loop3A_68 : i32 to index
      %parallel_loop3A_102 = arith.index_cast %parallel_loop3A_84 : i32 to index
      %parallel_loop3A_103 = arith.constant 64 : index
      %parallel_loop3A_104 = tpu.vector_load %arg5[%parallel_loop3A_101, %parallel_loop3A_102, %parallel_loop3A_103] {strides = array<i32>} : memref<20x40x128xf32, #tpu.memory_space<vmem>>, vector<16xf32>,
      tpu.vector_store %arg5[%parallel_loop3A_101, %parallel_loop3A_102, %parallel_loop3A_103], %broadcast_in_dim3A_3 {strides = array<i32>} : memref<20x40x128xf32, #tpu.memory_space<vmem>>, vector<16xf32>,
      %parallel_loop3A_105 = arith.index_cast %parallel_loop3A_68 : i32 to index
      %parallel_loop3A_106 = arith.index_cast %parallel_loop3A_84 : i32 to index
      %parallel_loop3A_107 = arith.constant 80 : index
      %parallel_loop3A_108 = tpu.vector_load %arg5[%parallel_loop3A_105, %parallel_loop3A_106, %parallel_loop3A_107] {strides = array<i32>} : memref<20x40x128xf32, #tpu.memory_space<vmem>>, vector<16xf32>,
      tpu.vector_store %arg5[%parallel_loop3A_105, %parallel_loop3A_106, %parallel_loop3A_107], %broadcast_in_dim3A_3 {strides = array<i32>} : memref<20x40x128xf32, #tpu.memory_space<vmem>>, vector<16xf32>,
      %parallel_loop3A_109 = arith.index_cast %parallel_loop3A_68 : i32 to index
      %parallel_loop3A_110 = arith.index_cast %parallel_loop3A_84 : i32 to index
      %parallel_loop3A_111 = arith.constant 96 : index
      %parallel_loop3A_112 = tpu.vector_load %arg5[%parallel_loop3A_109, %parallel_loop3A_110, %parallel_loop3A_111] {strides = array<i32>} : memref<20x40x128xf32, #tpu.memory_space<vmem>>, vector<16xf32>,
      tpu.vector_store %arg5[%parallel_loop3A_109, %parallel_loop3A_110, %parallel_loop3A_111], %broadcast_in_dim3A_3 {strides = array<i32>} : memref<20x40x128xf32, #tpu.memory_space<vmem>>, vector<16xf32>,
      %parallel_loop3A_113 = arith.index_cast %parallel_loop3A_68 : i32 to index
      %parallel_loop3A_114 = arith.index_cast %parallel_loop3A_84 : i32 to index
      %parallel_loop3A_115 = arith.constant 112 : index
      %parallel_loop3A_116 = tpu.vector_load %arg5[%parallel_loop3A_113, %parallel_loop3A_114, %parallel_loop3A_115] {strides = array<i32>} : memref<20x40x128xf32, #tpu.memory_space<vmem>>, vector<16xf32>,
      tpu.vector_store %arg5[%parallel_loop3A_113, %parallel_loop3A_114, %parallel_loop3A_115], %broadcast_in_dim3A_3 {strides = array<i32>} : memref<20x40x128xf32, #tpu.memory_space<vmem>>, vector<16xf32>,
    } {sc.loop_unroll_factor = 2 : i64, sc.parallel_access}
    "tpu.region"() ({
      %run_scoped3A = tpu.sem_alloc : memref<!tpu.dma_semaphore, #tpu.memory_space<semaphore_mem>>
      %dma_start3A = arith.constant 0 : i32
      %dma_start3A_44 = tpu.memref_slice %arg2[%dma_start3A, %mul3A_2] : memref<200x4096xi32, #tpu.memory_space<hbm>> -> memref<200x128xi32, #tpu.memory_space<hbm>>
      %dma_start3A_45 = arith.constant 0 : i32
      %dma_start3A_46 = tpu.memref_slice %arg2[%dma_start3A_45, %mul3A_2] : memref<200x4096xi32, #tpu.memory_space<hbm>> -> memref<200x128xi32, #tpu.memory_space<hbm>>
      tpu.enqueue_dma source(%dma_start3A_46 : memref<200x128xi32, #tpu.memory_space<hbm>>) target(%arg4 : memref<200x128xi32, #tpu.memory_space<vmem>>) target_semaphore(%run_scoped3A : memref<!tpu.dma_semaphore, #tpu.memory_space<semaphore_mem>>)
      %dma_wait3A = arith.constant 0 : i32
      %dma_wait3A_47 = tpu.memref_slice %arg2[%dma_wait3A, %mul3A_2] : memref<200x4096xi32, #tpu.memory_space<hbm>> -> memref<200x128xi32, #tpu.memory_space<hbm>>
      %dma_wait3A_48 = arith.constant 0 : i32
      %dma_wait3A_49 = tpu.memref_slice %arg2[%dma_wait3A_48, %mul3A_2] : memref<200x4096xi32, #tpu.memory_space<hbm>> -> memref<200x128xi32, #tpu.memory_space<hbm>>
      tpu.wait_dma2 semaphore(%run_scoped3A : memref<!tpu.dma_semaphore, #tpu.memory_space<semaphore_mem>>) src(%dma_wait3A_49 : memref<200x128xi32, #tpu.memory_space<hbm>>) dst(%arg4 : memref<200x128xi32, #tpu.memory_space<vmem>>)
      tpu.yield
    }) : () -> ()
    %scan3A = arith.constant 0 : i32
    %scan3A_39 = arith.constant 0 : i32
    %scan3A_40 = arith.constant 5 : i32
    %scan3A_41 = arith.addi %scan3A_39, %scan3A_40 : i32
    %scan3A_42 = arith.constant 1 : i32
    scf.for %scan3A_44 = %scan3A_39 to %scan3A_41 step %scan3A_42  : i32 {
      %mul3A_45 = arith.constant 40 : i32
      %mul3A_46 = arith.muli %scan3A_44, %mul3A_45 : i32
      %multiple_of3A = tpu.assume_multiple %mul3A_46, 8 : i32
      %parallel_loop3A_47 = arith.constant 0 : i32
      %parallel_loop3A_48 = arith.constant 40 : i32
      %parallel_loop3A_49 = arith.constant 1 : i32
      scf.for %parallel_loop3A_53 = %parallel_loop3A_47 to %parallel_loop3A_48 step %parallel_loop3A_49  : i32 {
        %parallel_loop3A_54 = arith.constant 0 : i32
        %parallel_loop3A_55 = vector.broadcast %parallel_loop3A_54 : i32 to vector<16xi32>
        %parallel_loop3A_56 = vector.broadcast %parallel_loop3A_53 : i32 to vector<16xi32>
        %parallel_loop3A_57 = arith.addi %parallel_loop3A_55, %parallel_loop3A_56 : vector<16xi32>
        %parallel_loop3A_58 = arith.addi %multiple_of3A, %parallel_loop3A_53 : i32
        %parallel_loop3A_59 = arith.index_cast %parallel_loop3A_58 : i32 to index
        %parallel_loop3A_60 = arith.constant 0 : index
        %parallel_loop3A_61 = tpu.vector_load %arg4[%parallel_loop3A_59, %parallel_loop3A_60] {strides = array<i32>} : memref<200x128xi32, #tpu.memory_space<vmem>>, vector<16xi32>,
        tpu.vector_store_idx %arg5[%parallel_loop3A_61, %parallel_loop3A_57, %add3A_8], %broadcast_in_dim3A_5 : memref<20x40x128xf32, #tpu.memory_space<vmem>>[vector<16xi32>, vector<16xi32>, vector<16xi32>], vector<16xf32>,
        %parallel_loop3A_62 = arith.addi %multiple_of3A, %parallel_loop3A_53 : i32
        %parallel_loop3A_63 = arith.index_cast %parallel_loop3A_62 : i32 to index
        %parallel_loop3A_64 = arith.constant 16 : index
        %parallel_loop3A_65 = tpu.vector_load %arg4[%parallel_loop3A_63, %parallel_loop3A_64] {strides = array<i32>} : memref<200x128xi32, #tpu.memory_space<vmem>>, vector<16xi32>,
        tpu.vector_store_idx %arg5[%parallel_loop3A_65, %parallel_loop3A_57, %add3A_12], %broadcast_in_dim3A_5 : memref<20x40x128xf32, #tpu.memory_space<vmem>>[vector<16xi32>, vector<16xi32>, vector<16xi32>], vector<16xf32>,
        %parallel_loop3A_66 = arith.addi %multiple_of3A, %parallel_loop3A_53 : i32
        %parallel_loop3A_67 = arith.index_cast %parallel_loop3A_66 : i32 to index
        %parallel_loop3A_68 = arith.constant 32 : index
        %parallel_loop3A_69 = tpu.vector_load %arg4[%parallel_loop3A_67, %parallel_loop3A_68] {strides = array<i32>} : memref<200x128xi32, #tpu.memory_space<vmem>>, vector<16xi32>,
        tpu.vector_store_idx %arg5[%parallel_loop3A_69, %parallel_loop3A_57, %add3A_16], %broadcast_in_dim3A_5 : memref<20x40x128xf32, #tpu.memory_space<vmem>>[vector<16xi32>, vector<16xi32>, vector<16xi32>], vector<16xf32>,
        %parallel_loop3A_70 = arith.addi %multiple_of3A, %parallel_loop3A_53 : i32
        %parallel_loop3A_71 = arith.index_cast %parallel_loop3A_70 : i32 to index
        %parallel_loop3A_72 = arith.constant 48 : index
        %parallel_loop3A_73 = tpu.vector_load %arg4[%parallel_loop3A_71, %parallel_loop3A_72] {strides = array<i32>} : memref<200x128xi32, #tpu.memory_space<vmem>>, vector<16xi32>,
        tpu.vector_store_idx %arg5[%parallel_loop3A_73, %parallel_loop3A_57, %add3A_20], %broadcast_in_dim3A_5 : memref<20x40x128xf32, #tpu.memory_space<vmem>>[vector<16xi32>, vector<16xi32>, vector<16xi32>], vector<16xf32>,
        %parallel_loop3A_74 = arith.addi %multiple_of3A, %parallel_loop3A_53 : i32
        %parallel_loop3A_75 = arith.index_cast %parallel_loop3A_74 : i32 to index
        %parallel_loop3A_76 = arith.constant 64 : index
        %parallel_loop3A_77 = tpu.vector_load %arg4[%parallel_loop3A_75, %parallel_loop3A_76] {strides = array<i32>} : memref<200x128xi32, #tpu.memory_space<vmem>>, vector<16xi32>,
        tpu.vector_store_idx %arg5[%parallel_loop3A_77, %parallel_loop3A_57, %add3A_24], %broadcast_in_dim3A_5 : memref<20x40x128xf32, #tpu.memory_space<vmem>>[vector<16xi32>, vector<16xi32>, vector<16xi32>], vector<16xf32>,
        %parallel_loop3A_78 = arith.addi %multiple_of3A, %parallel_loop3A_53 : i32
        %parallel_loop3A_79 = arith.index_cast %parallel_loop3A_78 : i32 to index
        %parallel_loop3A_80 = arith.constant 80 : index
        %parallel_loop3A_81 = tpu.vector_load %arg4[%parallel_loop3A_79, %parallel_loop3A_80] {strides = array<i32>} : memref<200x128xi32, #tpu.memory_space<vmem>>, vector<16xi32>,
        tpu.vector_store_idx %arg5[%parallel_loop3A_81, %parallel_loop3A_57, %add3A_28], %broadcast_in_dim3A_5 : memref<20x40x128xf32, #tpu.memory_space<vmem>>[vector<16xi32>, vector<16xi32>, vector<16xi32>], vector<16xf32>,
        %parallel_loop3A_82 = arith.addi %multiple_of3A, %parallel_loop3A_53 : i32
        %parallel_loop3A_83 = arith.index_cast %parallel_loop3A_82 : i32 to index
        %parallel_loop3A_84 = arith.constant 96 : index
        %parallel_loop3A_85 = tpu.vector_load %arg4[%parallel_loop3A_83, %parallel_loop3A_84] {strides = array<i32>} : memref<200x128xi32, #tpu.memory_space<vmem>>, vector<16xi32>,
        tpu.vector_store_idx %arg5[%parallel_loop3A_85, %parallel_loop3A_57, %add3A_32], %broadcast_in_dim3A_5 : memref<20x40x128xf32, #tpu.memory_space<vmem>>[vector<16xi32>, vector<16xi32>, vector<16xi32>], vector<16xf32>,
        %parallel_loop3A_86 = arith.addi %multiple_of3A, %parallel_loop3A_53 : i32
        %parallel_loop3A_87 = arith.index_cast %parallel_loop3A_86 : i32 to index
        %parallel_loop3A_88 = arith.constant 112 : index
        %parallel_loop3A_89 = tpu.vector_load %arg4[%parallel_loop3A_87, %parallel_loop3A_88] {strides = array<i32>} : memref<200x128xi32, #tpu.memory_space<vmem>>, vector<16xi32>,
        tpu.vector_store_idx %arg5[%parallel_loop3A_89, %parallel_loop3A_57, %add3A_36], %broadcast_in_dim3A_5 : memref<20x40x128xf32, #tpu.memory_space<vmem>>[vector<16xi32>, vector<16xi32>, vector<16xi32>], vector<16xf32>,
      } {sc.loop_unroll_factor = 2 : i64, sc.parallel_access}
      "tpu.region"() ({
        %run_scoped3A = tpu.sem_alloc : memref<!tpu.dma_semaphore, #tpu.memory_space<semaphore_mem>>
        %dma_start3A = arith.constant 0 : i32
        %dma_start3A_53 = tpu.memref_slice %arg3[%dma_start3A, %multiple_of3A, %mul3A_2] : memref<20x200x4096xf32, #tpu.memory_space<hbm>> -> memref<20x40x128xf32, #tpu.memory_space<hbm>>
        %dma_start3A_54 = arith.constant 0 : i32
        %dma_start3A_55 = tpu.memref_slice %arg3[%dma_start3A_54, %multiple_of3A, %mul3A_2] : memref<20x200x4096xf32, #tpu.memory_space<hbm>> -> memref<20x40x128xf32, #tpu.memory_space<hbm>>
        tpu.enqueue_dma source(%arg5 : memref<20x40x128xf32, #tpu.memory_space<vmem>>) target(%dma_start3A_55 : memref<20x40x128xf32, #tpu.memory_space<hbm>>) target_semaphore(%run_scoped3A : memref<!tpu.dma_semaphore, #tpu.memory_space<semaphore_mem>>)
        %dma_wait3A = arith.constant 0 : i32
        %dma_wait3A_56 = tpu.memref_slice %arg3[%dma_wait3A, %multiple_of3A, %mul3A_2] : memref<20x200x4096xf32, #tpu.memory_space<hbm>> -> memref<20x40x128xf32, #tpu.memory_space<hbm>>
        %dma_wait3A_57 = arith.constant 0 : i32
        %dma_wait3A_58 = tpu.memref_slice %arg3[%dma_wait3A_57, %multiple_of3A, %mul3A_2] : memref<20x200x4096xf32, #tpu.memory_space<hbm>> -> memref<20x40x128xf32, #tpu.memory_space<hbm>>
        tpu.wait_dma2 semaphore(%run_scoped3A : memref<!tpu.dma_semaphore, #tpu.memory_space<semaphore_mem>>) src(%arg5 : memref<20x40x128xf32, #tpu.memory_space<vmem>>) dst(%dma_wait3A_58 : memref<20x40x128xf32, #tpu.memory_space<hbm>>)
        tpu.yield
      }) : () -> ()
      %parallel_loop3A_50 = arith.constant 0 : i32
      %parallel_loop3A_51 = arith.constant 40 : i32
      %parallel_loop3A_52 = arith.constant 1 : i32
      scf.for %parallel_loop3A_53 = %parallel_loop3A_50 to %parallel_loop3A_51 step %parallel_loop3A_52  : i32 {
        %parallel_loop3A_54 = arith.constant 0 : i32
        %parallel_loop3A_55 = vector.broadcast %parallel_loop3A_54 : i32 to vector<16xi32>
        %parallel_loop3A_56 = vector.broadcast %parallel_loop3A_53 : i32 to vector<16xi32>
        %parallel_loop3A_57 = arith.addi %parallel_loop3A_55, %parallel_loop3A_56 : vector<16xi32>
        %parallel_loop3A_58 = arith.addi %multiple_of3A, %parallel_loop3A_53 : i32
        %parallel_loop3A_59 = arith.index_cast %parallel_loop3A_58 : i32 to index
        %parallel_loop3A_60 = arith.constant 0 : index
        %parallel_loop3A_61 = tpu.vector_load %arg4[%parallel_loop3A_59, %parallel_loop3A_60] {strides = array<i32>} : memref<200x128xi32, #tpu.memory_space<vmem>>, vector<16xi32>,
        tpu.vector_store_idx %arg5[%parallel_loop3A_61, %parallel_loop3A_57, %add3A_8], %broadcast_in_dim3A_3 : memref<20x40x128xf32, #tpu.memory_space<vmem>>[vector<16xi32>, vector<16xi32>, vector<16xi32>], vector<16xf32>,
        %parallel_loop3A_62 = arith.addi %multiple_of3A, %parallel_loop3A_53 : i32
        %parallel_loop3A_63 = arith.index_cast %parallel_loop3A_62 : i32 to index
        %parallel_loop3A_64 = arith.constant 16 : index
        %parallel_loop3A_65 = tpu.vector_load %arg4[%parallel_loop3A_63, %parallel_loop3A_64] {strides = array<i32>} : memref<200x128xi32, #tpu.memory_space<vmem>>, vector<16xi32>,
        tpu.vector_store_idx %arg5[%parallel_loop3A_65, %parallel_loop3A_57, %add3A_12], %broadcast_in_dim3A_3 : memref<20x40x128xf32, #tpu.memory_space<vmem>>[vector<16xi32>, vector<16xi32>, vector<16xi32>], vector<16xf32>,
        %parallel_loop3A_66 = arith.addi %multiple_of3A, %parallel_loop3A_53 : i32
        %parallel_loop3A_67 = arith.index_cast %parallel_loop3A_66 : i32 to index
        %parallel_loop3A_68 = arith.constant 32 : index
        %parallel_loop3A_69 = tpu.vector_load %arg4[%parallel_loop3A_67, %parallel_loop3A_68] {strides = array<i32>} : memref<200x128xi32, #tpu.memory_space<vmem>>, vector<16xi32>,
        tpu.vector_store_idx %arg5[%parallel_loop3A_69, %parallel_loop3A_57, %add3A_16], %broadcast_in_dim3A_3 : memref<20x40x128xf32, #tpu.memory_space<vmem>>[vector<16xi32>, vector<16xi32>, vector<16xi32>], vector<16xf32>,
        %parallel_loop3A_70 = arith.addi %multiple_of3A, %parallel_loop3A_53 : i32
        %parallel_loop3A_71 = arith.index_cast %parallel_loop3A_70 : i32 to index
        %parallel_loop3A_72 = arith.constant 48 : index
        %parallel_loop3A_73 = tpu.vector_load %arg4[%parallel_loop3A_71, %parallel_loop3A_72] {strides = array<i32>} : memref<200x128xi32, #tpu.memory_space<vmem>>, vector<16xi32>,
        tpu.vector_store_idx %arg5[%parallel_loop3A_73, %parallel_loop3A_57, %add3A_20], %broadcast_in_dim3A_3 : memref<20x40x128xf32, #tpu.memory_space<vmem>>[vector<16xi32>, vector<16xi32>, vector<16xi32>], vector<16xf32>,
        %parallel_loop3A_74 = arith.addi %multiple_of3A, %parallel_loop3A_53 : i32
        %parallel_loop3A_75 = arith.index_cast %parallel_loop3A_74 : i32 to index
        %parallel_loop3A_76 = arith.constant 64 : index
        %parallel_loop3A_77 = tpu.vector_load %arg4[%parallel_loop3A_75, %parallel_loop3A_76] {strides = array<i32>} : memref<200x128xi32, #tpu.memory_space<vmem>>, vector<16xi32>,
        tpu.vector_store_idx %arg5[%parallel_loop3A_77, %parallel_loop3A_57, %add3A_24], %broadcast_in_dim3A_3 : memref<20x40x128xf32, #tpu.memory_space<vmem>>[vector<16xi32>, vector<16xi32>, vector<16xi32>], vector<16xf32>,
        %parallel_loop3A_78 = arith.addi %multiple_of3A, %parallel_loop3A_53 : i32
        %parallel_loop3A_79 = arith.index_cast %parallel_loop3A_78 : i32 to index
        %parallel_loop3A_80 = arith.constant 80 : index
        %parallel_loop3A_81 = tpu.vector_load %arg4[%parallel_loop3A_79, %parallel_loop3A_80] {strides = array<i32>} : memref<200x128xi32, #tpu.memory_space<vmem>>, vector<16xi32>,
        tpu.vector_store_idx %arg5[%parallel_loop3A_81, %parallel_loop3A_57, %add3A_28], %broadcast_in_dim3A_3 : memref<20x40x128xf32, #tpu.memory_space<vmem>>[vector<16xi32>, vector<16xi32>, vector<16xi32>], vector<16xf32>,
        %parallel_loop3A_82 = arith.addi %multiple_of3A, %parallel_loop3A_53 : i32
        %parallel_loop3A_83 = arith.index_cast %parallel_loop3A_82 : i32 to index
        %parallel_loop3A_84 = arith.constant 96 : index
        %parallel_loop3A_85 = tpu.vector_load %arg4[%parallel_loop3A_83, %parallel_loop3A_84] {strides = array<i32>} : memref<200x128xi32, #tpu.memory_space<vmem>>, vector<16xi32>,
        tpu.vector_store_idx %arg5[%parallel_loop3A_85, %parallel_loop3A_57, %add3A_32], %broadcast_in_dim3A_3 : memref<20x40x128xf32, #tpu.memory_space<vmem>>[vector<16xi32>, vector<16xi32>, vector<16xi32>], vector<16xf32>,
        %parallel_loop3A_86 = arith.addi %multiple_of3A, %parallel_loop3A_53 : i32
        %parallel_loop3A_87 = arith.index_cast %parallel_loop3A_86 : i32 to index
        %parallel_loop3A_88 = arith.constant 112 : index
        %parallel_loop3A_89 = tpu.vector_load %arg4[%parallel_loop3A_87, %parallel_loop3A_88] {strides = array<i32>} : memref<200x128xi32, #tpu.memory_space<vmem>>, vector<16xi32>,
        tpu.vector_store_idx %arg5[%parallel_loop3A_89, %parallel_loop3A_57, %add3A_36], %broadcast_in_dim3A_3 : memref<20x40x128xf32, #tpu.memory_space<vmem>>[vector<16xi32>, vector<16xi32>, vector<16xi32>], vector<16xf32>,
      } {sc.loop_unroll_factor = 2 : i64, sc.parallel_access}
    }
    %scan3A_43 = arith.constant 5 : i32
    return
  }
}

</mosaic_0001>

<sc_bundles>
// kernel: kernel.3.cloned.1.call-start
scs
__scs_entry_jumppad:
0x0: {  	(pc) =	sbr.rel $0x88, $3  }
0x1: {  	(tag) =	ssettag $0x0;
	lr =	simm.s32 $0x1  }
0x2: {  	[smem:$0x3FA0] =	sst lr;
	_ =	strace $0xD0000000  }
0x3: {  	_ = 	snop  }
0x4: {  	_ = 	snop  }
0x5: {  	_ = 	snop  }
0x6: {  	_ = 	snop  }
0x7: {  	_ = 	snop  }
__scs_overlays_trampoline_lowered:
0x8: {  	[smem:$0x3FAF] =	sst s0  }
0x9: {  	[smem:$0x3FB0] =	sst s1  }
0xa: {  	[smem:$0x3FB1] =	sst s2  }
0xb: {  	[smem:$0x3FB2] =	sst s3  }
0xc: {  	[smem:$0x3FB3] =	sst s4  }
0xd: {  	[smem:$0x3FB4] =	sst s5  }
0xe: {  	[smem:$0x3FB5] =	sst s6  }
0xf: {  	[smem:$0x3FB6] =	sst s7  }
0x10: {  	[smem:$0x3FB7] =	sst s8  }
0x11: {  	[smem:$0x3FB8] =	sst s9;
	s0 =	simm.s32 @!p0 $0x0  }
0x12: {  	s1 =	sld [smem:$0x3F9E];
	s0 =	simm.s32 @p0 $0x1  }
0x13: {  	[smem:$0x3FB9] =	sst s0;
	s0 =	simm.s32 @!p1 $0x0  }
0x14: {  	s2 =	sld [smem:$0x3F9D];
	s0 =	simm.s32 @p1 $0x1  }
0x15: {  	[smem:$0x3FBA] =	sst s0;
	s0 =	simm.s32 @!p2 $0x0  }
0x16: {  	s3 =	sld [smem:$0x3FDB];
	s0 =	simm.s32 @p2 $0x1  }
0x17: {  	s4 =	simm.s32 $0x1BF5;
	[smem:$0x3FBC] =	sst s0  }
0x18: {  	s0 =	sld [smem:$0x3F9F];
	_ =	swait.ge [sflag:s4], $0x0  }
0x19: {  	s7 =	sld [smem:$0x3FA0]  }
0x1a: {  	s8 =	sadd.s32 $0xFFFFE003, lr  }
0x1b: {  	s9 =	sadd.s32 $0xFFFFFEF7, lr;
	s5 =	simm.s32 $0xFFFFFFFF;
	p2 =	slt.u32 s8, $0xFFFFF086  }
0x1c: {  	p1 =	slt.u32 s9, $0xF7A;
	s5 =	simm.s32 @!p2 $0x0  }
0x1d: {  	s5 =	simm.s32 @p1 $0x1;
	p0 =	seq.s32 s7, s2  }
0x1e: {  	s7 =	smul.u32 @!p0 $0xF7A, s2;
	p2 =	seq.s32 @!p0 s5, $0x0  }
0x1f: {  	s9 =	smul.u32 $0xF7A, s1;
	s8 =	simm.s32 @!p0 $0x1BF5;
	p2 =	por !p2, p0  }
0x20: {  	[sflag:s8] =	ssyncset.s32 @!p0 $0xFFFFF086;
	s6 =	sadd.s32 @!p0 s3, s7;
	s7 =	simm.s32 @!p0 $0x108  }
0x21: {  	s3 =	sadd.s32 s3, s9;
	s6 =	sadd.s32 @!p0 $0x88, s6;
	s7 =	simm.s32 @p2 $0x1082  }
0x22: {  	[simem:s7], [sflag:s8] =	dma.local @!p0 [hbm:s6], $0xF7A  }
0x23: {  	s9 =	sor.u32 $0xD0000000, s2;
	s6 =	simm.s32 $0x108;
	_ =	swait.ge @!p0 [sflag:s8], $0x0  }
0x24: {  	s3 =	sadd.s32 $0x88, s3;
	s6 =	simm.s32 @!p1 $0x1082;
	[sflag:s4] =	ssyncset.s32 $0xFFFFF086  }
0x25: {  	[simem:s6], [sflag:s4] =	dma.local [hbm:s3], $0xF7A  }
0x26: {  	[smem:$0x3FA0] =	sst s1;
	(tag) =	ssettag s2;
	_ =	strace s9  }
0x27: {  	s1 =	sld [smem:$0x3FB0]  }
0x28: {  	s2 =	sld [smem:$0x3FB1]  }
0x29: {  	s4 =	sld [smem:$0x3FB3]  }
0x2a: {  	p0 =	seq.s32 s5, $0x0;
	s5 =	sld [smem:$0x3FB4]  }
0x2b: {  	s6 =	sld [smem:$0x3FB5]  }
0x2c: {  	s7 =	sld [smem:$0x3FB6]  }
0x2d: {  	s3 =	simm.s32 $0x108;
	s8 =	sld [smem:$0x3FB7]  }
0x2e: {  	s3 =	simm.s32 @!p0 $0x1082;
	s9 =	sld [smem:$0x3FB8]  }
0x2f: {  	lr =	sadd.s32 s0, s3;
	s0 =	sld [smem:$0x3FAF]  }
0x30: {  	s3 =	sld [smem:$0x3FB2]  }
0x31: {  	[smem:$0x3FBB] =	sst s10  }
0x32: {  	s10 =	sld [smem:$0x3FB9];
	_ =	sdelay $0x3  }
0x33: {  	p0 =	seq.s32 s10, $0x1;
	s10 =	sld [smem:$0x3FBB];
	_ =	sdelay $0x3  }
0x34: {  	[smem:$0x3FBB] =	sst s10  }
0x35: {  	s10 =	sld [smem:$0x3FBA];
	_ =	sdelay $0x3  }
0x36: {  	p1 =	seq.s32 s10, $0x1;
	s10 =	sld [smem:$0x3FBB];
	_ =	sdelay $0x3  }
0x37: {  	[smem:$0x3FBB] =	sst s10  }
0x38: {  	s10 =	sld [smem:$0x3FBC]  }
0x39: {  	_ = 	snop;
	(pc) =	sbr.ind lr, $3  }
0x3a: {  	_ = 	snop  }
0x3b: {  	_ = 	snop  }
0x3c: {  	p2 =	seq.s32 s10, $0x1;
	s10 =	sld [smem:$0x3FBB]  }
0x3d: {  	_ =	shalt  }
0x3e: {  	_ =	shalt  }
0x3f: {  	_ =	shalt  }
0x40: {  	_ =	shalt  }
0x41: {  	_ =	shalt  }
0x42: {  	_ =	shalt  }
0x43: {  	_ =	shalt  }
0x44: {  	_ =	shalt  }
0x45: {  	_ =	shalt  }
0x46: {  	_ =	shalt  }
0x47: {  	_ =	shalt  }
0x48: {  	_ =	shalt  }
0x49: {  	_ =	shalt  }
0x4a: {  	_ =	shalt  }
0x4b: {  	_ =	shalt  }
0x4c: {  	_ =	shalt  }
0x4d: {  	_ =	shalt  }
0x4e: {  	_ =	shalt  }
0x4f: {  	_ =	shalt  }
0x50: {  	_ =	shalt  }
0x51: {  	_ =	shalt  }
0x52: {  	_ =	shalt  }
0x53: {  	_ =	shalt  }
0x54: {  	_ =	shalt  }
0x55: {  	_ =	shalt  }
0x56: {  	_ =	shalt  }
0x57: {  	_ =	shalt  }
0x58: {  	_ =	shalt  }
0x59: {  	_ =	shalt  }
0x5a: {  	_ =	shalt  }
0x5b: {  	_ =	shalt  }
0x5c: {  	_ =	shalt  }
0x5d: {  	_ =	shalt  }
0x5e: {  	_ =	shalt  }
0x5f: {  	_ =	shalt  }
0x60: {  	_ =	shalt  }
0x61: {  	_ =	shalt  }
0x62: {  	_ =	shalt  }
0x63: {  	_ =	shalt  }
0x64: {  	_ =	shalt  }
0x65: {  	_ =	shalt  }
0x66: {  	_ =	shalt  }
0x67: {  	_ =	shalt  }
0x68: {  	_ =	shalt  }
0x69: {  	_ =	shalt  }
0x6a: {  	_ =	shalt  }
0x6b: {  	_ =	shalt  }
0x6c: {  	_ =	shalt  }
0x6d: {  	_ =	shalt  }
0x6e: {  	_ =	shalt  }
0x6f: {  	_ =	shalt  }
0x70: {  	_ =	shalt  }
0x71: {  	_ =	shalt  }
0x72: {  	_ =	shalt  }
0x73: {  	_ =	shalt  }
0x74: {  	_ =	shalt  }
0x75: {  	_ =	shalt  }
0x76: {  	_ =	shalt  }
0x77: {  	_ =	shalt  }
0x78: {  	_ =	shalt  }
0x79: {  	_ =	shalt  }
0x7a: {  	_ =	shalt  }
0x7b: {  	_ =	shalt  }
0x7c: {  	_ =	shalt  }
0x7d: {  	_ =	shalt  }
0x7e: {  	_ =	shalt  }
0x7f: {  	_ =	shalt  }
0x80: {  	_ =	shalt  }
0x81: {  	_ =	shalt  }
0x82: {  	_ =	shalt  }
0x83: {  	_ =	shalt  }
0x84: {  	_ =	shalt  }
0x85: {  	_ =	shalt  }
0x86: {  	_ =	shalt  }
0x87: {  	_ =	shalt  }
.Lfunc_end0:
.L_simem_size_0:
called_computation_lowered:
.L_overlay_start_0:
0x88: {  	s2 =	sld [smem:$0x3FD9]  }
0x89: {  	s3 =	sld [smem:$0x3FFE];
	_ =	sdelay $0x1  }
0x8a: {  	s1 =	srdreg.scid  }
0x8b: {  	s0 =	sand.u32 $0x1, s1  }
0x8c: {  	s18 =	sshll.u32 s0, $0xA;
	s2 =	sadd.s32 s3, s2  }
0x8d: {  	s2 =	sadd.s32 s2, s18  }
0x8e: {  	[smem:$0x3FC7] =	sst s2  }
0x8f: {  	_ = 	snop  }
0x90: {  	s2 =	sld [smem:$0x3FC9]  }
0x91: {  	s19 =	sld [smem:$0x3FD0];
	(tm) =	ssettm $0x1  }
0x92: {  	s4 =	sld [smem:$0x3FFB];
	_ =	sdelay $0x3  }
0x93: {  	_ =	strace s4  }
0x94: {  	s4 =	sld [smem:$0x3FFC];
	_ =	sdelay $0x3  }
0x95: {  	_ =	strace s4  }
0x96: {  	s4 =	sld [smem:$0x3FFD];
	_ =	sdelay $0x3  }
0x97: {  	_ =	strace s4  }
0x98: {  	_ =	strace $0x8FFFFFFF  }
0x99: {  	s20 =	sld [smem:$0x3FDB];
	_ =	sdelay $0x1  }
0x9a: {  	s5 =	simm.s32 $_scs_section_size  }
0x9b: {  	s6 =	simm.s32 $_size__tile_overlayer_lowered;
	s7 =	simm.s32 $_tile_overlayer_lowered  }
0x9c: {  	s23 =	simm.s32 $0x1BFF;
	s22 =	sshll.u32 s7, $0x1;
	s4 =	sadd.s32 s5, s20  }
0x9d: {  	s8 =	simm.s32 $0x0;
	s21 =	sshll.u32 s6, $0x1;
	s6 =	sadd.s32 s22, s4  }
0x9e: {  	[timem:s8], [sflag:s23] =	dma.local [hbm:s6], s21  }
0x9f: {  	_ =	swait.ge [sflag:s23], s21  }
0xa0: {  	s5 =	ssub.s32 $0x0, s21;
	[sflag:s23] =	ssyncset.done $0x0  }
0xa1: {  	[sflag:s23] =	ssyncadd.s32 s5;
	_ =	sdelay $0x1  }
0xa2: {  	s24 =	simm.s32 $0x1B8B  }
0xa3: {  	_ =	swait.ge [sflag:s24], $0x1  }
0xa4: {  	[sflag:s24] =	ssyncset.done $0x0  }
0xa5: {  	s25 =	simm.s32 $0x1B8E;
	[sflag:s24] =	ssyncadd.s32 $0xFFFFFFFF  }
0xa6: {  	s26 =	simm.s32 $execute0_lowered;
	[smem:$0x3FD2] =	sst s25  }
0xa7: {  	s5 =	sshll.u32 s26, $0x1;
	_ =	strace $0x80000046;
	[dreg:$0x1] =	wrdreg $0xFFFFFFFF  }
0xa8: {  	s28 =	simm.s32 $_size_execute0_lowered;
	s4 =	sadd.s32 s4, s5;
	[dreg:$0x0] =	wrdreg $0x0  }
0xa9: {  	s5 =	sshll.u32 s28, $0x1;
	[dreg:$0x2] =	wrdreg s4  }
0xaa: {  	[dreg:$0x3] =	wrdreg s5  }
0xab: {  	[dreg:$0x4] =	wrdreg $0xC0  }
0xac: {  	_ =	task [dreg:s8], $0x5FFFF  }
0xad: {  	[dreg:$0x1] =	wrdreg $0xFFFFFFFF  }
0xae: {  	[dreg:$0x0] =	wrdreg $0x60  }
0xaf: {  	[dreg:$0x2] =	wrdreg s2  }
0xb0: {  	[dreg:$0x3] =	wrdreg s19  }
0xb1: {  	[dreg:$0x4] =	wrdreg $0x9  }
0xb2: {  	_ =	task.clear_ibuf [dreg:s8], $0x5FFFF;
	_ =	strace $0x90000046  }
0xb3: {  	s29 =	simm.s32 $0x9;
	_ =	strace $0x80000048  }
0xb4: {  	_ =	swait.ge [sflag:s29], $0x1  }
0xb5: {  	[sflag:s29] =	ssyncadd.s32 $0xFFFFFFFF  }
0xb6: {  	_ =	strace $0x90000048  }
0xb7: {  	_ =	sfence  }
0xb8: {  	s30 =	sld [smem:$0x0];
	_ =	sdelay $0x2  }
0xb9: {  	s31 =	sshll.u32 s1, $0xD;
	s1 =	sshrl.u32 s1, $0x2  }
0xba: {  	s3 =	sand.u32 $0x4000, s31;
	s1 =	sadd.s32 s1, s30  }
0xbb: {  	s0 =	sor.u32 s3, s0;
	s1 =	sshll.u32 s1, $0x11  }
0xbc: {  	s0 =	sor.u32 s1, s0  }
0xbd: {  	s0 =	sadd.s32 $0x8F2B, s0  }
0xbe: {  	[sflag:s0] =	ssyncadd.remote.s32 $0x1  }
0xbf: {  	_ =	sfence.sel $0xFFFF  }
0xc0: {  	[dreg:$0x0] =	wrdreg $0xFFFFFFFF;
	(pc) =	sbr.abs _section_cstart, $3  }
0xc1: {  	[dreg:$0x1] =	wrdreg $0xFFFFFFFF  }
0xc2: {  	_ =	task.clear_ibuf [dreg:s8], $0x2FFFF;
	_ =	strace $0x9FFFFFFF  }
0xc3: {  	(tm) =	ssettm $0x7FFFFFFF  }
tec
execute0_lowered:
.L_overlay_start_1:
0x0: {  	(tag) =	ssettag $0x1  }
0x1: {  	s0 =	rddreg [dreg:$0x0];
	s1 =	srdreg.scid  }
0x2: {  	s5 =	simm.s32 $0x0;
	s3 =	stileid.u32;
	s1 =	sand.u32 $0x1, s1  }
0x3: {  	s3 =	sshll.u32 s3, $0xB;
	s2 =	ssub.s32 $0x2, s1;
	s1 =	sshll.u32 s1, $0xA  }
0x4: {  	[smem:$0x7FF] =	sst s5;
	s3 =	sor.u32 s1, s3  }
0x5: {  	v0 =	vlaneseq.u32;
	_ =	strace $0x80000047;
	s4 =	sshrl.u32 s2, $0x1;
	s30 =	sshrl.u32 s3, $0x3  }
0x6: {  	v1 =	vimm.f32 $0.0e+00;
	v2 =	vimm.f32 $1.000000000e+00;
	v3 =	vor.u32 $0x10, v0;
	s29 =	ssub.s32 s2, s4;
	[dreg:$0x4] =	wrdreg s3;
	s0 =	sadd.s32 s0, s30  }
0x7: {  	s7 =	simm.s32 $0x400;
	v4 =	vor.u32 $0x20, v0;
	v5 =	vor.u32 $0x30, v0;
	v6 =	vor.u32 $0x40, v0;
	s31 =	smax.u32 s29, $0x1;
	[dreg:$0x5] =	wrdreg s0  }
0x8: {  	s8 =	simm.s32 $0x8000;
	s10 =	simm.s32 $0x6400;
	v7 =	vor.u32 $0x50, v0;
	v8 =	vor.u32 $0x60, v0;
	v9 =	vor.u32 $0x70, v0;
	[dreg:$0x6] =	wrdreg s31  }
.LBB2_1:
0x9: {  	s0 =	simm.s32 $0x0  }
0xa: {  	s1 =	sor.u32 $0x1, s0  }
0xb: {  	s2 =	sand.u32 $0xFFFF, s1  }
0xc: {  	s2 =	smul.u32 $0xCCCD, s2  }
0xd: {  	s3 =	smul.u32 $0xCCCD, s0  }
0xe: {  	s2 =	sshrl.u32 s2, $0x15  }
0xf: {  	s3 =	sshrl.u32 s3, $0x15;
	s2 =	smul.u32 $0x28, s2  }
0x10: {  	s4 =	smul.u32 $0x5000, s3  }
0x11: {  	s1 =	ssub.s32 s1, s2  }
0x12: {  	s30 =	sshrl.u32 s4, $0x2;
	s1 =	sshll.u32 s1, $0x7  }
0x13: {  	s3 =	smul.u32 $0x28, s3;
	s4 =	sadd.s32 $0x6400, s30;
	s1 =	sand.u32 $0xFF80, s1  }
0x14: {  	[dreg:$0x3] =	wrdreg s5;
	s2 =	sadd.s32 s1, s4  }
0x15: {  	s31 =	ssub.s32 $0x0, s3;
	[tilespmem:s2+$0x70] =	vst v1  }
0x16: {  	s1 =	sshll.u32 s31, $0x7;
	[tilespmem:s2+$0x0] =	vst v1  }
0x17: {  	s1 =	sand.u32 $0xFF80, s1;
	[tilespmem:s2+$0x10] =	vst v1  }
0x18: {  	[tilespmem:s2+$0x20] =	vst v1;
	s1 =	sadd.s32 s1, s4  }
.LBB2_2:
0x19: {  	s0 =	sadd.s32 $0x2, s0;
	[tilespmem:s2+$0x30] =	vst v1  }
0x1a: {  	s3 =	sor.u32 $0x1, s0;
	p0 =	slt.u32 s0, $0x31E;
	[tilespmem:s2+$0x40] =	vst v1  }
0x1b: {  	s4 =	sand.u32 $0xFFFF, s3;
	[tilespmem:s2+$0x50] =	vst v1  }
0x1c: {  	s4 =	smul.u32 $0xCCCD, s4;
	[tilespmem:s2+$0x60] =	vst v1  }
0x1d: {  	s2 =	smul.u32 $0xCCCD, s0;
	[tilespmem:s1+$0x0] =	vst v1  }
0x1e: {  	s4 =	sshrl.u32 s4, $0x15;
	[tilespmem:s1+$0x10] =	vst v1  }
0x1f: {  	s2 =	sshrl.u32 s2, $0x15;
	s4 =	smul.u32 $0x28, s4;
	[tilespmem:s1+$0x20] =	vst v1  }
0x20: {  	s5 =	smul.u32 $0x5000, s2;
	[tilespmem:s1+$0x30] =	vst v1  }
0x21: {  	s2 =	smul.u32 $0x28, s2;
	s3 =	ssub.s32 s3, s4;
	[tilespmem:s1+$0x40] =	vst v1  }
0x22: {  	s4 =	sshrl.u32 s5, $0x2;
	s3 =	sshll.u32 s3, $0x7;
	[tilespmem:s1+$0x50] =	vst v1  }
0x23: {  	s2 =	ssub.s32 s0, s2;
	s4 =	sadd.s32 $0x6400, s4;
	s3 =	sand.u32 $0xFF80, s3;
	[tilespmem:s1+$0x60] =	vst v1  }
.Ltmp0:
0x24: {  	s5 =	sshll.u32 s2, $0x7;
	s2 =	sadd.s32 s3, s4;
	[tilespmem:s1+$0x70] =	vst v1;
	(pc) =	sbr.rel @p0 .LBB2_2-.Ltmp0, $4  }
0x25: {  	s1 =	sand.u32 $0xFF80, s5;
	[tilespmem:s2+$0x70] =	vst v1  }
0x26: {  	s1 =	sadd.s32 s1, s4;
	[tilespmem:s2+$0x0] =	vst v1  }
0x27: {  	[tilespmem:s2+$0x10] =	vst v1  }
0x28: {  	[tilespmem:s2+$0x20] =	vst v1  }
0x29: {  	[tilespmem:s2+$0x30] =	vst v1  }
0x2a: {  	[tilespmem:s2+$0x40] =	vst v1  }
0x2b: {  	[tilespmem:s2+$0x50] =	vst v1  }
0x2c: {  	[tilespmem:s2+$0x60] =	vst v1  }
0x2d: {  	[tilespmem:s1+$0x0] =	vst v1  }
0x2e: {  	[tilespmem:s1+$0x10] =	vst v1  }
0x2f: {  	[tilespmem:s1+$0x20] =	vst v1  }
0x30: {  	[tilespmem:s1+$0x30] =	vst v1  }
0x31: {  	[tilespmem:s1+$0x40] =	vst v1  }
0x32: {  	[tilespmem:s1+$0x50] =	vst v1  }
0x33: {  	[tilespmem:s1+$0x60] =	vst v1  }
0x34: {  	[tilespmem:s1+$0x70] =	vst v1  }
0x35: {  	s13 =	simm.s32 $0x0;
	s31 =	simm.s32 $0x1;
	s0 =	rddreg [dreg:$0x5]  }
0x36: {  	[tilespmem:s13], [sflag:$0x1] =	stream.strided.gather [hbm4b:s0+s7], $0x6400, s8, s7, $0x38;
	[tilespmem:$0x1F400] =	vst v63  }
0x37: {  	_ =	swait.ge [sflag:s31], $0x6400  }
0x38: {  	[sflag:s31] =	ssyncset.done $0x0  }
0x39: {  	s14 =	simm.s32 $0x80;
	[sflag:s31] =	ssyncadd.s32 $0xFFFF9C00  }
.LBB2_4:
0x3a: {  	[dreg:$0x7] =	wrdreg s13  }
0x3b: {  	v10 =	vld [tilespmem:s14+$0x0]  }
0x3c: {  	v11 =	vld [tilespmem:s14+$0xFFFFFF80];
	_ =	sdelay $0x3  }
0x3d: {  	v10 =	vmul.u32 $0x1400, v10  }
0x3e: {  	s19 =	simm.s32 $0x80;
	v11 =	vmul.u32 $0x1400, v11  }
0x3f: {  	s18 =	simm.s32 $0x0;
	v10 =	vadd.s32 s19, v10  }
0x40: {  	v11 =	vadd.s32 s18, v11;
	v10 =	vor.u32 v0, v10  }
0x41: {  	v11 =	vor.u32 v0, v11;
	_ =	sdelay $0x3  }
0x42: {  	[tilespmem:v10+s10+$0x0] =	vst.idx.msk $0xffff, v2  }
0x43: {  	[tilespmem:v11+s10+$0x0] =	vst.idx.msk $0xffff, v2;
	v10 =	vld [tilespmem:s14+$0x10]  }
0x44: {  	s3 =	sadd.s32 $0x100, s14;
	v11 =	vld [tilespmem:s14+$0xFFFFFF90]  }
0x45: {  	v12 =	vld [tilespmem:s3+$0x0]  }
0x46: {  	v13 =	vld [tilespmem:s3+$0xFFFFFF80];
	_ =	sdelay $0x1  }
0x47: {  	v10 =	vmul.u32 $0x1400, v10  }
0x48: {  	v11 =	vmul.u32 $0x1400, v11  }
0x49: {  	v12 =	vmul.u32 $0x1400, v12;
	v10 =	vadd.s32 s19, v10  }
0x4a: {  	s21 =	simm.s32 $0x180;
	v13 =	vmul.u32 $0x1400, v13;
	v11 =	vadd.s32 s18, v11;
	v10 =	vor.u32 v3, v10  }
0x4b: {  	s20 =	simm.s32 $0x100;
	v12 =	vadd.s32 s21, v12;
	v11 =	vor.u32 v3, v11  }
0x4c: {  	v13 =	vadd.s32 s20, v13;
	v12 =	vor.u32 v0, v12  }
0x4d: {  	v13 =	vor.u32 v0, v13;
	_ =	sdelay $0x1  }
0x4e: {  	[tilespmem:v10+s10+$0x0] =	vst.idx.msk $0xffff, v2  }
0x4f: {  	[tilespmem:v11+s10+$0x0] =	vst.idx.msk $0xffff, v2;
	v10 =	vld [tilespmem:s14+$0x20]  }
0x50: {  	[tilespmem:v12+s10+$0x0] =	vst.idx.msk $0xffff, v2;
	v11 =	vld [tilespmem:s14+$0xFFFFFFA0]  }
0x51: {  	[tilespmem:v13+s10+$0x0] =	vst.idx.msk $0xffff, v2;
	v12 =	vld [tilespmem:s3+$0x10]  }
0x52: {  	s6 =	sadd.s32 $0x100, s3;
	v13 =	vld [tilespmem:s3+$0xFFFFFF90]  }
0x53: {  	v14 =	vld [tilespmem:s6+$0x0]  }
0x54: {  	v15 =	vld [tilespmem:s6+$0xFFFFFF80];
	v10 =	vmul.u32 $0x1400, v10  }
0x55: {  	v11 =	vmul.u32 $0x1400, v11  }
0x56: {  	v12 =	vmul.u32 $0x1400, v12;
	v10 =	vadd.s32 s19, v10  }
0x57: {  	v13 =	vmul.u32 $0x1400, v13;
	v11 =	vadd.s32 s18, v11;
	v10 =	vor.u32 v4, v10  }
0x58: {  	v14 =	vmul.u32 $0x1400, v14;
	v12 =	vadd.s32 s21, v12;
	v11 =	vor.u32 v4, v11  }
0x59: {  	s23 =	simm.s32 $0x280;
	v15 =	vmul.u32 $0x1400, v15;
	v13 =	vadd.s32 s20, v13;
	v12 =	vor.u32 v3, v12  }
0x5a: {  	s22 =	simm.s32 $0x200;
	v14 =	vadd.s32 s23, v14;
	v13 =	vor.u32 v3, v13  }
0x5b: {  	v15 =	vadd.s32 s22, v15;
	v14 =	vor.u32 v0, v14  }
0x5c: {  	v15 =	vor.u32 v0, v15;
	[tilespmem:v10+s10+$0x0] =	vst.idx.msk $0xffff, v2  }
0x5d: {  	[tilespmem:v11+s10+$0x0] =	vst.idx.msk $0xffff, v2;
	v10 =	vld [tilespmem:s14+$0x30]  }
0x5e: {  	[tilespmem:v12+s10+$0x0] =	vst.idx.msk $0xffff, v2;
	v11 =	vld [tilespmem:s14+$0xFFFFFFB0]  }
0x5f: {  	[tilespmem:v13+s10+$0x0] =	vst.idx.msk $0xffff, v2;
	v12 =	vld [tilespmem:s3+$0x20]  }
0x60: {  	[tilespmem:v14+s10+$0x0] =	vst.idx.msk $0xffff, v2;
	v13 =	vld [tilespmem:s3+$0xFFFFFFA0]  }
0x61: {  	[tilespmem:v15+s10+$0x0] =	vst.idx.msk $0xffff, v2;
	v14 =	vld [tilespmem:s6+$0x10]  }
0x62: {  	s5 =	sadd.s32 $0x100, s6;
	v15 =	vld [tilespmem:s6+$0xFFFFFF90];
	v10 =	vmul.u32 $0x1400, v10  }
0x63: {  	v16 =	vld [tilespmem:s5+$0x0];
	v11 =	vmul.u32 $0x1400, v11  }
0x64: {  	v17 =	vld [tilespmem:s5+$0xFFFFFF80];
	v12 =	vmul.u32 $0x1400, v12;
	v10 =	vadd.s32 s19, v10  }
0x65: {  	v13 =	vmul.u32 $0x1400, v13;
	v11 =	vadd.s32 s18, v11;
	v10 =	vor.u32 v5, v10  }
0x66: {  	v14 =	vmul.u32 $0x1400, v14;
	v12 =	vadd.s32 s21, v12;
	v11 =	vor.u32 v5, v11  }
0x67: {  	v15 =	vmul.u32 $0x1400, v15;
	v13 =	vadd.s32 s20, v13;
	v12 =	vor.u32 v4, v12  }
0x68: {  	v16 =	vmul.u32 $0x1400, v16;
	v14 =	vadd.s32 s23, v14;
	v13 =	vor.u32 v4, v13  }
0x69: {  	s25 =	simm.s32 $0x380;
	v17 =	vmul.u32 $0x1400, v17;
	v15 =	vadd.s32 s22, v15;
	v14 =	vor.u32 v3, v14  }
0x6a: {  	s24 =	simm.s32 $0x300;
	v16 =	vadd.s32 s25, v16;
	v15 =	vor.u32 v3, v15;
	[tilespmem:v10+s10+$0x0] =	vst.idx.msk $0xffff, v2  }
0x6b: {  	v16 =	vor.u32 v0, v16;
	v10 =	vadd.s32 s24, v17;
	[tilespmem:v11+s10+$0x0] =	vst.idx.msk $0xffff, v2;
	v11 =	vld [tilespmem:s14+$0x40]  }
0x6c: {  	[tilespmem:v12+s10+$0x0] =	vst.idx.msk $0xffff, v2;
	v10 =	vor.u32 v0, v10;
	v12 =	vld [tilespmem:s14+$0xFFFFFFC0]  }
0x6d: {  	[tilespmem:v13+s10+$0x0] =	vst.idx.msk $0xffff, v2;
	v13 =	vld [tilespmem:s3+$0x30]  }
0x6e: {  	[tilespmem:v14+s10+$0x0] =	vst.idx.msk $0xffff, v2;
	v14 =	vld [tilespmem:s3+$0xFFFFFFB0]  }
0x6f: {  	[tilespmem:v15+s10+$0x0] =	vst.idx.msk $0xffff, v2;
	v15 =	vld [tilespmem:s6+$0x20]  }
0x70: {  	[tilespmem:v16+s10+$0x0] =	vst.idx.msk $0xffff, v2;
	v16 =	vld [tilespmem:s6+$0xFFFFFFA0];
	v11 =	vmul.u32 $0x1400, v11  }
0x71: {  	[tilespmem:v10+s10+$0x0] =	vst.idx.msk $0xffff, v2;
	v10 =	vld [tilespmem:s5+$0x10];
	v12 =	vmul.u32 $0x1400, v12  }
0x72: {  	s1 =	sadd.s32 $0x100, s5;
	v13 =	vmul.u32 $0x1400, v13;
	v17 =	vld [tilespmem:s5+$0xFFFFFF90];
	v11 =	vadd.s32 s19, v11  }
0x73: {  	v18 =	vld [tilespmem:s1+$0x0];
	v14 =	vmul.u32 $0x1400, v14;
	v12 =	vadd.s32 s18, v12;
	v11 =	vor.u32 v6, v11  }
0x74: {  	v19 =	vld [tilespmem:s1+$0xFFFFFF80];
	v15 =	vmul.u32 $0x1400, v15;
	v13 =	vadd.s32 s21, v13;
	v12 =	vor.u32 v6, v12  }
0x75: {  	v16 =	vmul.u32 $0x1400, v16;
	v14 =	vadd.s32 s20, v14;
	v13 =	vor.u32 v5, v13  }
0x76: {  	v15 =	vadd.s32 s23, v15;
	v14 =	vor.u32 v5, v14;
	v10 =	vmul.u32 $0x1400, v10  }
0x77: {  	v16 =	vadd.s32 s22, v16;
	v15 =	vor.u32 v4, v15;
	v17 =	vmul.u32 $0x1400, v17  }
0x78: {  	v18 =	vmul.u32 $0x1400, v18;
	v16 =	vor.u32 v4, v16;
	v10 =	vadd.s32 s25, v10;
	[tilespmem:v11+s10+$0x0] =	vst.idx.msk $0xffff, v2  }
0x79: {  	s26 =	simm.s32 $0x480;
	v11 =	vmul.u32 $0x1400, v19;
	v17 =	vadd.s32 s24, v17;
	v10 =	vor.u32 v3, v10;
	[tilespmem:v12+s10+$0x0] =	vst.idx.msk $0xffff, v2;
	v12 =	vld [tilespmem:s14+$0x50]  }
0x7a: {  	s28 =	simm.s32 $0x400;
	v18 =	vadd.s32 s26, v18;
	[tilespmem:v13+s10+$0x0] =	vst.idx.msk $0xffff, v2;
	v17 =	vor.u32 v3, v17;
	v13 =	vld [tilespmem:s14+$0xFFFFFFD0]  }
0x7b: {  	v18 =	vor.u32 v0, v18;
	[tilespmem:v14+s10+$0x0] =	vst.idx.msk $0xffff, v2;
	v14 =	vld [tilespmem:s3+$0x40];
	v11 =	vadd.s32 s28, v11  }
0x7c: {  	[tilespmem:v15+s10+$0x0] =	vst.idx.msk $0xffff, v2;
	v15 =	vld [tilespmem:s3+$0xFFFFFFC0];
	v11 =	vor.u32 v0, v11  }
0x7d: {  	[tilespmem:v16+s10+$0x0] =	vst.idx.msk $0xffff, v2;
	v16 =	vld [tilespmem:s6+$0x30]  }
0x7e: {  	[tilespmem:v10+s10+$0x0] =	vst.idx.msk $0xffff, v2;
	v10 =	vld [tilespmem:s6+$0xFFFFFFB0];
	v12 =	vmul.u32 $0x1400, v12  }
0x7f: {  	[tilespmem:v17+s10+$0x0] =	vst.idx.msk $0xffff, v2;
	v17 =	vld [tilespmem:s5+$0x20];
	v13 =	vmul.u32 $0x1400, v13  }
0x80: {  	[tilespmem:v18+s10+$0x0] =	vst.idx.msk $0xffff, v2;
	v14 =	vmul.u32 $0x1400, v14;
	v18 =	vld [tilespmem:s5+$0xFFFFFFA0];
	v12 =	vadd.s32 s19, v12  }
0x81: {  	v15 =	vmul.u32 $0x1400, v15;
	[tilespmem:v11+s10+$0x0] =	vst.idx.msk $0xffff, v2;
	v11 =	vld [tilespmem:s1+$0x10];
	v13 =	vadd.s32 s18, v13;
	v12 =	vor.u32 v7, v12  }
0x82: {  	s0 =	sadd.s32 $0x100, s1;
	v16 =	vmul.u32 $0x1400, v16;
	v14 =	vadd.s32 s21, v14;
	v19 =	vld [tilespmem:s1+$0xFFFFFF90];
	v13 =	vor.u32 v7, v13  }
0x83: {  	v20 =	vld [tilespmem:s0+$0x0];
	v15 =	vadd.s32 s20, v15;
	v14 =	vor.u32 v6, v14;
	v10 =	vmul.u32 $0x1400, v10  }
0x84: {  	v21 =	vld [tilespmem:s0+$0xFFFFFF80];
	v16 =	vadd.s32 s23, v16;
	v15 =	vor.u32 v6, v15;
	v17 =	vmul.u32 $0x1400, v17  }
0x85: {  	v16 =	vor.u32 v5, v16;
	v18 =	vmul.u32 $0x1400, v18;
	v10 =	vadd.s32 s22, v10  }
0x86: {  	v11 =	vmul.u32 $0x1400, v11;
	v17 =	vadd.s32 s25, v17;
	v10 =	vor.u32 v5, v10;
	[tilespmem:v12+s10+$0x0] =	vst.idx.msk $0xffff, v2  }
0x87: {  	v12 =	vmul.u32 $0x1400, v19;
	v18 =	vadd.s32 s24, v18;
	v17 =	vor.u32 v4, v17;
	[tilespmem:v13+s10+$0x0] =	vst.idx.msk $0xffff, v2;
	v13 =	vld [tilespmem:s14+$0x60]  }
0x88: {  	[tilespmem:v14+s10+$0x0] =	vst.idx.msk $0xffff, v2;
	v19 =	vmul.u32 $0x1400, v20;
	v11 =	vadd.s32 s26, v11;
	v18 =	vor.u32 v4, v18;
	v14 =	vld [tilespmem:s14+$0xFFFFFFE0]  }
0x89: {  	s30 =	simm.s32 $0x580;
	[tilespmem:v15+s10+$0x0] =	vst.idx.msk $0xffff, v2;
	v15 =	vld [tilespmem:s3+$0x50];
	v20 =	vmul.u32 $0x1400, v21;
	v12 =	vadd.s32 s28, v12;
	v11 =	vor.u32 v3, v11  }
0x8a: {  	s29 =	simm.s32 $0x500;
	[tilespmem:v16+s10+$0x0] =	vst.idx.msk $0xffff, v2;
	v21 =	vld [tilespmem:s3+$0xFFFFFFD0];
	v19 =	vadd.s32 s30, v19;
	v12 =	vor.u32 v3, v12  }
0x8b: {  	v16 =	vadd.s32 s29, v20;
	v20 =	vld [tilespmem:s6+$0x40];
	v19 =	vor.u32 v0, v19;
	[tilespmem:v10+s10+$0x0] =	vst.idx.msk $0xffff, v2  }
0x8c: {  	v22 =	vor.u32 v0, v16;
	[tilespmem:v17+s10+$0x0] =	vst.idx.msk $0xffff, v2;
	v23 =	vld [tilespmem:s6+$0xFFFFFFC0];
	v10 =	vmul.u32 $0x1400, v13  }
0x8d: {  	[tilespmem:v18+s10+$0x0] =	vst.idx.msk $0xffff, v2;
	v18 =	vld [tilespmem:s5+$0x30];
	v13 =	vmul.u32 $0x1400, v14  }
0x8e: {  	[tilespmem:v11+s10+$0x0] =	vst.idx.msk $0xffff, v2;
	v14 =	vld [tilespmem:s5+$0xFFFFFFB0];
	v11 =	vmul.u32 $0x1400, v15;
	v10 =	vadd.s32 s19, v10  }
0x8f: {  	[tilespmem:v12+s10+$0x0] =	vst.idx.msk $0xffff, v2;
	v16 =	vld [tilespmem:s1+$0x20];
	v12 =	vmul.u32 $0x1400, v21;
	v13 =	vadd.s32 s18, v13;
	v10 =	vor.u32 v8, v10  }
0x90: {  	s9 =	simm.s32 $0xC;
	v15 =	vmul.u32 $0x1400, v20;
	[tilespmem:v19+s10+$0x0] =	vst.idx.msk $0xffff, v2;
	v17 =	vld [tilespmem:s1+$0xFFFFFFA0];
	v19 =	vadd.s32 s21, v11;
	v11 =	vor.u32 v8, v13  }
0x91: {  	s4 =	simm.s32 $0xE;
	s12 =	smov.u32 s14;
	s13 =	smov.u32 s3;
	[tilespmem:v22+s10+$0x0] =	vst.idx.msk $0xffff, v2;
	v21 =	vld [tilespmem:s0+$0x10];
	v23 =	vmul.u32 $0x1400, v23;
	v12 =	vadd.s32 s20, v12;
	v13 =	vor.u32 v7, v19  }
0x92: {  	s15 =	smov.u32 s5;
	s16 =	smov.u32 s1;
	s31 =	sadd.s32 $0x100, s0;
	v20 =	vld [tilespmem:s0+$0xFFFFFF90];
	v24 =	vadd.s32 s23, v15;
	v18 =	vmul.u32 $0x1400, v18;
	v12 =	vor.u32 v7, v12  }
0x93: {  	s17 =	smov.u32 s0;
	v22 =	vld [tilespmem:s31+$0x0];
	[dreg:$0x8] =	wrdreg s14;
	s14 =	smov.u32 s6;
	v19 =	vmul.u32 $0x1400, v14;
	v15 =	vadd.s32 s22, v23;
	v14 =	vor.u32 v6, v24  }
.LBB2_5:
0x94: {  	p0 =	slt.u32 s4, $0x26;
	v23 =	vld [tilespmem:s31+$0xFFFFFF80];
	v16 =	vmul.u32 $0x1400, v16;
	v18 =	vadd.s32 s25, v18;
	v15 =	vor.u32 v6, v15;
	[tilespmem:v10+s10+$0x0] =	vst.idx.msk $0xffff, v2  }
0x95: {  	v10 =	vmul.u32 $0x1400, v17;
	v17 =	vadd.s32 s24, v19;
	v18 =	vor.u32 v5, v18;
	[tilespmem:v11+s10+$0x0] =	vst.idx.msk $0xffff, v2;
	v11 =	vld [tilespmem:s12+$0x70]  }
0x96: {  	v19 =	vmul.u32 $0x1400, v21;
	v16 =	vadd.s32 s26, v16;
	v17 =	vor.u32 v5, v17;
	[tilespmem:v13+s10+$0x0] =	vst.idx.msk $0xffff, v2;
	v13 =	vld [tilespmem:s12+$0xFFFFFFF0];
	s12 =	smov.u32 s13;
	s13 =	smov.u32 s14;
	s14 =	smov.u32 s15  }
0x97: {  	s15 =	smov.u32 s16;
	s16 =	smov.u32 s17;
	s17 =	smov.u32 s31;
	v20 =	vmul.u32 $0x1400, v20;
	v10 =	vadd.s32 s28, v10;
	v16 =	vor.u32 v4, v16;
	[tilespmem:v12+s10+$0x0] =	vst.idx.msk $0xffff, v2;
	v12 =	vld [tilespmem:s12+$0x60]  }
0x98: {  	s11 =	sshll.u32 s9, $0x7;
	s9 =	smov.u32 s4;
	v21 =	vmul.u32 $0x1400, v22;
	v19 =	vadd.s32 s30, v19;
	v10 =	vor.u32 v4, v10;
	[tilespmem:v14+s10+$0x0] =	vst.idx.msk $0xffff, v2;
	v14 =	vld [tilespmem:s12+$0xFFFFFFE0]  }
0x99: {  	s2 =	sadd.s32 $0x80, s11;
	v22 =	vmul.u32 $0x1400, v23;
	v20 =	vadd.s32 s29, v20;
	v19 =	vor.u32 v3, v19;
	[tilespmem:v15+s10+$0x0] =	vst.idx.msk $0xffff, v2;
	v15 =	vld [tilespmem:s13+$0x50]  }
0x9a: {  	v21 =	vadd.s32 s2, v21;
	v20 =	vor.u32 v3, v20;
	[tilespmem:v18+s10+$0x0] =	vst.idx.msk $0xffff, v2;
	v18 =	vld [tilespmem:s13+$0xFFFFFFD0];
	v11 =	vmul.u32 $0x1400, v11  }
0x9b: {  	v22 =	vadd.s32 s11, v22;
	v21 =	vor.u32 v0, v21;
	[tilespmem:v17+s10+$0x0] =	vst.idx.msk $0xffff, v2;
	v23 =	vld [tilespmem:s14+$0x40];
	v13 =	vmul.u32 $0x1400, v13  }
0x9c: {  	v22 =	vor.u32 v0, v22;
	[tilespmem:v16+s10+$0x0] =	vst.idx.msk $0xffff, v2;
	v24 =	vld [tilespmem:s14+$0xFFFFFFC0];
	v12 =	vmul.u32 $0x1400, v12;
	v11 =	vadd.s32 s19, v11;
	s19 =	smov.u32 s21;
	s21 =	smov.u32 s23;
	s23 =	smov.u32 s25  }
0x9d: {  	[tilespmem:v10+s10+$0x0] =	vst.idx.msk $0xffff, v2;
	v25 =	vld [tilespmem:s15+$0x30];
	v10 =	vmul.u32 $0x1400, v14;
	v13 =	vadd.s32 s18, v13;
	v14 =	vor.u32 v9, v11;
	s18 =	smov.u32 s20;
	s20 =	smov.u32 s22;
	s22 =	smov.u32 s24  }
0x9e: {  	s24 =	smov.u32 s28;
	s28 =	smov.u32 s29;
	s29 =	smov.u32 s11;
	[tilespmem:v19+s10+$0x0] =	vst.idx.msk $0xffff, v2;
	v19 =	vld [tilespmem:s15+$0xFFFFFFB0];
	v11 =	vmul.u32 $0x1400, v15;
	v12 =	vadd.s32 s19, v12;
	v26 =	vor.u32 v9, v13  }
.Ltmp1:
0x9f: {  	s25 =	smov.u32 s26;
	s26 =	smov.u32 s30;
	[tilespmem:v20+s10+$0x0] =	vst.idx.msk $0xffff, v2;
	v16 =	vld [tilespmem:s16+$0x20];
	v13 =	vmul.u32 $0x1400, v18;
	v15 =	vadd.s32 s18, v10;
	v10 =	vor.u32 v8, v12;
	(pc) =	sbr.rel @p0 .LBB2_5-.Ltmp1, $4  }
0xa0: {  	s30 =	smov.u32 s2;
	[tilespmem:v21+s10+$0x0] =	vst.idx.msk $0xffff, v2;
	v17 =	vld [tilespmem:s16+$0xFFFFFFA0];
	v12 =	vmul.u32 $0x1400, v23;
	v18 =	vadd.s32 s21, v11;
	v11 =	vor.u32 v8, v15  }
0xa1: {  	[tilespmem:v22+s10+$0x0] =	vst.idx.msk $0xffff, v2;
	v21 =	vld [tilespmem:s31+$0x10];
	v15 =	vmul.u32 $0x1400, v24;
	v22 =	vadd.s32 s20, v13;
	v13 =	vor.u32 v7, v18  }
0xa2: {  	s31 =	sadd.s32 $0x100, s31;
	v20 =	vld [tilespmem:s17+$0xFFFFFF90];
	v18 =	vmul.u32 $0x1400, v25;
	v23 =	vadd.s32 s23, v12;
	v12 =	vor.u32 v7, v22;
	[tilespmem:v14+s10+$0x0] =	vst.idx.msk $0xffff, v2  }
0xa3: {  	s4 =	sadd.s32 $0x2, s4;
	v22 =	vld [tilespmem:s31+$0x0];
	v19 =	vmul.u32 $0x1400, v19;
	v15 =	vadd.s32 s22, v15;
	v14 =	vor.u32 v6, v23;
	[tilespmem:v26+s10+$0x0] =	vst.idx.msk $0xffff, v2  }
0xa4: {  	v23 =	vld [tilespmem:s31+$0xFFFFFF80];
	_ =	sdelay $0x3  }
0xa5: {  	s4 =	sshll.u32 s9, $0x7;
	v22 =	vmul.u32 $0x1400, v22  }
0xa6: {  	s9 =	sadd.s32 $0x80, s4;
	v23 =	vmul.u32 $0x1400, v23  }
0xa7: {  	v22 =	vadd.s32 s9, v22  }
0xa8: {  	v23 =	vadd.s32 s4, v23;
	v22 =	vor.u32 v0, v22  }
0xa9: {  	v23 =	vor.u32 v0, v23;
	_ =	sdelay $0x3  }
0xaa: {  	[tilespmem:v22+s10+$0x0] =	vst.idx.msk $0xffff, v2  }
0xab: {  	[tilespmem:v23+s10+$0x0] =	vst.idx.msk $0xffff, v2;
	v22 =	vld [tilespmem:s31+$0x10]  }
0xac: {  	v21 =	vmul.u32 $0x1400, v21;
	v23 =	vld [tilespmem:s31+$0xFFFFFF90]  }
0xad: {  	v20 =	vmul.u32 $0x1400, v20  }
0xae: {  	v21 =	vadd.s32 s30, v21  }
0xaf: {  	v20 =	vadd.s32 s29, v20;
	v21 =	vor.u32 v3, v21  }
0xb0: {  	v20 =	vor.u32 v3, v20;
	v22 =	vmul.u32 $0x1400, v22  }
0xb1: {  	v23 =	vmul.u32 $0x1400, v23  }
0xb2: {  	v22 =	vadd.s32 s9, v22  }
0xb3: {  	v23 =	vadd.s32 s4, v23;
	v22 =	vor.u32 v3, v22  }
0xb4: {  	[tilespmem:v21+s10+$0x0] =	vst.idx.msk $0xffff, v2;
	v23 =	vor.u32 v3, v23  }
0xb5: {  	[tilespmem:v20+s10+$0x0] =	vst.idx.msk $0xffff, v2;
	v45 =	vld [tilespmem:s17+$0x20]  }
0xb6: {  	v46 =	vld [tilespmem:s17+$0xFFFFFFA0];
	_ =	sdelay $0x1  }
0xb7: {  	v16 =	vmul.u32 $0x1400, v16;
	[tilespmem:v22+s10+$0x0] =	vst.idx.msk $0xffff, v2  }
0xb8: {  	v17 =	vmul.u32 $0x1400, v17;
	[tilespmem:v23+s10+$0x0] =	vst.idx.msk $0xffff, v2;
	v22 =	vld [tilespmem:s31+$0x20]  }
0xb9: {  	v16 =	vadd.s32 s26, v16;
	v20 =	vmul.u32 $0x1400, v45;
	v23 =	vld [tilespmem:s31+$0xFFFFFFA0]  }
0xba: {  	v17 =	vadd.s32 s28, v17;
	v16 =	vor.u32 v4, v16;
	v21 =	vmul.u32 $0x1400, v46  }
0xbb: {  	v17 =	vor.u32 v4, v17;
	v20 =	vadd.s32 s30, v20  }
0xbc: {  	v21 =	vadd.s32 s29, v21;
	v20 =	vor.u32 v4, v20  }
0xbd: {  	v21 =	vor.u32 v4, v21;
	v22 =	vmul.u32 $0x1400, v22  }
0xbe: {  	v23 =	vmul.u32 $0x1400, v23  }
0xbf: {  	[tilespmem:v16+s10+$0x0] =	vst.idx.msk $0xffff, v2;
	v22 =	vadd.s32 s9, v22  }
0xc0: {  	[tilespmem:v17+s10+$0x0] =	vst.idx.msk $0xffff, v2;
	v48 =	vld [tilespmem:s16+$0x30];
	v23 =	vadd.s32 s4, v23;
	v22 =	vor.u32 v4, v22  }
0xc1: {  	v49 =	vld [tilespmem:s16+$0xFFFFFFB0];
	[tilespmem:v20+s10+$0x0] =	vst.idx.msk $0xffff, v2;
	v47 =	vor.u32 v4, v23  }
0xc2: {  	v18 =	vadd.s32 s25, v18;
	[tilespmem:v21+s10+$0x0] =	vst.idx.msk $0xffff, v2;
	v20 =	vld [tilespmem:s17+$0x30]  }
0xc3: {  	v18 =	vor.u32 v5, v18;
	v21 =	vld [tilespmem:s17+$0xFFFFFFB0];
	_ =	sdelay $0x1  }
0xc4: {  	v17 =	vmul.u32 $0x1400, v48;
	[tilespmem:v22+s10+$0x0] =	vst.idx.msk $0xffff, v2  }
0xc5: {  	v19 =	vadd.s32 s24, v19;
	v23 =	vmul.u32 $0x1400, v49;
	[tilespmem:v47+s10+$0x0] =	vst.idx.msk $0xffff, v2;
	v50 =	vld [tilespmem:s31+$0x30]  }
0xc6: {  	v19 =	vor.u32 v5, v19;
	v17 =	vadd.s32 s26, v17;
	v20 =	vmul.u32 $0x1400, v20;
	v51 =	vld [tilespmem:s31+$0xFFFFFFB0]  }
0xc7: {  	[tilespmem:v18+s10+$0x0] =	vst.idx.msk $0xffff, v2;
	v17 =	vor.u32 v5, v17;
	v21 =	vmul.u32 $0x1400, v21;
	v23 =	vadd.s32 s28, v23  }
0xc8: {  	v53 =	vld [tilespmem:s15+$0x40];
	v20 =	vadd.s32 s30, v20;
	v23 =	vor.u32 v5, v23  }
0xc9: {  	v21 =	vadd.s32 s29, v21;
	v20 =	vor.u32 v5, v20  }
0xca: {  	v52 =	vor.u32 v5, v21;
	v16 =	vmul.u32 $0x1400, v50  }
0xcb: {  	[tilespmem:v19+s10+$0x0] =	vst.idx.msk $0xffff, v2;
	v22 =	vmul.u32 $0x1400, v51  }
0xcc: {  	v55 =	vld [tilespmem:s15+$0xFFFFFFC0];
	[tilespmem:v17+s10+$0x0] =	vst.idx.msk $0xffff, v2;
	v16 =	vadd.s32 s9, v16  }
0xcd: {  	v19 =	vmul.u32 $0x1400, v53;
	v57 =	vld [tilespmem:s16+$0x40];
	[tilespmem:v23+s10+$0x0] =	vst.idx.msk $0xffff, v2;
	v54 =	vadd.s32 s4, v22;
	v16 =	vor.u32 v5, v16  }
0xce: {  	[tilespmem:v20+s10+$0x0] =	vst.idx.msk $0xffff, v2;
	v23 =	vld [tilespmem:s16+$0xFFFFFFC0];
	v56 =	vor.u32 v5, v54  }
0xcf: {  	v19 =	vadd.s32 s25, v19;
	[tilespmem:v52+s10+$0x0] =	vst.idx.msk $0xffff, v2;
	v58 =	vld [tilespmem:s17+$0x40]  }
0xd0: {  	v19 =	vor.u32 v6, v19;
	v59 =	vld [tilespmem:s17+$0xFFFFFFC0]  }
0xd1: {  	v60 =	vmul.u32 $0x1400, v55  }
0xd2: {  	v15 =	vor.u32 v6, v15;
	v21 =	vmul.u32 $0x1400, v57;
	[tilespmem:v16+s10+$0x0] =	vst.idx.msk $0xffff, v2  }
0xd3: {  	v23 =	vmul.u32 $0x1400, v23;
	v16 =	vadd.s32 s24, v60;
	[tilespmem:v56+s10+$0x0] =	vst.idx.msk $0xffff, v2;
	v61 =	vld [tilespmem:s31+$0x40]  }
0xd4: {  	v21 =	vadd.s32 s26, v21;
	v18 =	vmul.u32 $0x1400, v58;
	v16 =	vor.u32 v6, v16;
	v62 =	vld [tilespmem:s31+$0xFFFFFFC0]  }
0xd5: {  	[tilespmem:v19+s10+$0x0] =	vst.idx.msk $0xffff, v2;
	v21 =	vor.u32 v6, v21;
	v20 =	vmul.u32 $0x1400, v59;
	v23 =	vadd.s32 s28, v23  }
0xd6: {  	[tilespmem:v14+s10+$0x0] =	vst.idx.msk $0xffff, v2;
	v27 =	vld [tilespmem:s15+$0x50];
	v18 =	vadd.s32 s30, v18;
	v63 =	vor.u32 v6, v23  }
0xd7: {  	v24 =	vld [tilespmem:s14+$0x50];
	[tilespmem:v15+s10+$0x0] =	vst.idx.msk $0xffff, v2;
	v20 =	vadd.s32 s29, v20;
	v18 =	vor.u32 v6, v18  }
0xd8: {  	v25 =	vld [tilespmem:s14+$0xFFFFFFD0];
	v26 =	vor.u32 v6, v20;
	v17 =	vmul.u32 $0x1400, v61  }
0xd9: {  	[tilespmem:v16+s10+$0x0] =	vst.idx.msk $0xffff, v2;
	v22 =	vmul.u32 $0x1400, v62  }
0xda: {  	[tilespmem:v21+s10+$0x0] =	vst.idx.msk $0xffff, v2;
	v29 =	vld [tilespmem:s15+$0xFFFFFFD0];
	v17 =	vadd.s32 s9, v17  }
0xdb: {  	v30 =	vld [tilespmem:s16+$0x50];
	[tilespmem:v63+s10+$0x0] =	vst.idx.msk $0xffff, v2;
	v16 =	vmul.u32 $0x1400, v27;
	v28 =	vadd.s32 s4, v22;
	v17 =	vor.u32 v6, v17  }
0xdc: {  	v15 =	vmul.u32 $0x1400, v24;
	[tilespmem:v18+s10+$0x0] =	vst.idx.msk $0xffff, v2;
	v31 =	vld [tilespmem:s16+$0xFFFFFFD0];
	v20 =	vor.u32 v6, v28  }
0xdd: {  	v32 =	vmul.u32 $0x1400, v25;
	[tilespmem:v26+s10+$0x0] =	vst.idx.msk $0xffff, v2;
	v33 =	vld [tilespmem:s17+$0x50];
	v16 =	vadd.s32 s25, v16  }
0xde: {  	v15 =	vadd.s32 s23, v15;
	v34 =	vld [tilespmem:s17+$0xFFFFFFD0];
	v16 =	vor.u32 v7, v16  }
0xdf: {  	[tilespmem:v13+s10+$0x0] =	vst.idx.msk $0xffff, v2;
	v15 =	vor.u32 v7, v15;
	v35 =	vadd.s32 s22, v32;
	v36 =	vmul.u32 $0x1400, v29  }
0xe0: {  	v41 =	vld [tilespmem:s13+$0x60];
	v14 =	vmul.u32 $0x1400, v30;
	[tilespmem:v17+s10+$0x0] =	vst.idx.msk $0xffff, v2;
	v17 =	vor.u32 v7, v35  }
0xe1: {  	v21 =	vmul.u32 $0x1400, v31;
	v18 =	vadd.s32 s24, v36;
	[tilespmem:v20+s10+$0x0] =	vst.idx.msk $0xffff, v2;
	v37 =	vld [tilespmem:s31+$0x50]  }
0xe2: {  	[tilespmem:v12+s10+$0x0] =	vst.idx.msk $0xffff, v2;
	v14 =	vadd.s32 s26, v14;
	v40 =	vmul.u32 $0x1400, v33;
	v39 =	vor.u32 v7, v18;
	v38 =	vld [tilespmem:s31+$0xFFFFFFD0]  }
0xe3: {  	v44 =	vld [tilespmem:s13+$0xFFFFFFE0];
	v14 =	vor.u32 v7, v14;
	v43 =	vmul.u32 $0x1400, v34;
	v42 =	vadd.s32 s28, v21;
	[tilespmem:v16+s10+$0x0] =	vst.idx.msk $0xffff, v2  }
0xe4: {  	[tilespmem:v15+s10+$0x0] =	vst.idx.msk $0xffff, v2;
	v45 =	vor.u32 v7, v42;
	v18 =	vadd.s32 s30, v40;
	v52 =	vld [tilespmem:s15+$0x60]  }
0xe5: {  	v12 =	vmul.u32 $0x1400, v41;
	v47 =	vld [tilespmem:s14+$0x60];
	v48 =	vadd.s32 s29, v43;
	v18 =	vor.u32 v7, v18;
	[tilespmem:v17+s10+$0x0] =	vst.idx.msk $0xffff, v2  }
0xe6: {  	[tilespmem:v10+s10+$0x0] =	vst.idx.msk $0xffff, v2;
	v51 =	vor.u32 v7, v48;
	v46 =	vmul.u32 $0x1400, v37;
	v50 =	vld [tilespmem:s14+$0xFFFFFFE0]  }
0xe7: {  	v12 =	vadd.s32 s21, v12;
	[tilespmem:v39+s10+$0x0] =	vst.idx.msk $0xffff, v2;
	v49 =	vmul.u32 $0x1400, v38  }
0xe8: {  	v12 =	vor.u32 v8, v12;
	v56 =	vmul.u32 $0x1400, v44;
	[tilespmem:v14+s10+$0x0] =	vst.idx.msk $0xffff, v2;
	v54 =	vld [tilespmem:s15+$0xFFFFFFE0];
	v19 =	vadd.s32 s9, v46  }
0xe9: {  	v57 =	vld [tilespmem:s16+$0x60];
	[tilespmem:v45+s10+$0x0] =	vst.idx.msk $0xffff, v2;
	v13 =	vmul.u32 $0x1400, v52;
	v53 =	vadd.s32 s4, v49;
	v19 =	vor.u32 v7, v19  }
0xea: {  	v59 =	vadd.s32 s20, v56;
	v17 =	vmul.u32 $0x1400, v47;
	v58 =	vld [tilespmem:s16+$0xFFFFFFE0];
	[tilespmem:v18+s10+$0x0] =	vst.idx.msk $0xffff, v2;
	v55 =	vor.u32 v7, v53  }
0xeb: {  	[tilespmem:v51+s10+$0x0] =	vst.idx.msk $0xffff, v2;
	v18 =	vor.u32 v8, v59;
	v61 =	vld [tilespmem:s17+$0x60];
	v13 =	vadd.s32 s25, v13;
	v60 =	vmul.u32 $0x1400, v50  }
0xec: {  	[tilespmem:v11+s10+$0x0] =	vst.idx.msk $0xffff, v2;
	v62 =	vld [tilespmem:s17+$0xFFFFFFE0];
	v17 =	vadd.s32 s23, v17;
	v13 =	vor.u32 v8, v13  }
0xed: {  	v11 =	vld [tilespmem:s12+$0x70];
	[tilespmem:v12+s10+$0x0] =	vst.idx.msk $0xffff, v2;
	v17 =	vor.u32 v8, v17;
	v24 =	vmul.u32 $0x1400, v54;
	v63 =	vadd.s32 s22, v60  }
0xee: {  	v30 =	vld [tilespmem:s13+$0x70];
	v15 =	vmul.u32 $0x1400, v57;
	[tilespmem:v19+s10+$0x0] =	vst.idx.msk $0xffff, v2;
	v10 =	vor.u32 v8, v63  }
0xef: {  	v27 =	vmul.u32 $0x1400, v58;
	v20 =	vadd.s32 s24, v24;
	[tilespmem:v55+s10+$0x0] =	vst.idx.msk $0xffff, v2;
	v25 =	vld [tilespmem:s31+$0x60]  }
0xf0: {  	v15 =	vadd.s32 s26, v15;
	[tilespmem:v18+s10+$0x0] =	vst.idx.msk $0xffff, v2;
	v16 =	vmul.u32 $0x1400, v61;
	v29 =	vor.u32 v8, v20;
	v26 =	vld [tilespmem:s31+$0xFFFFFFE0]  }
0xf1: {  	v15 =	vor.u32 v8, v15;
	v32 =	vmul.u32 $0x1400, v62;
	v31 =	vadd.s32 s28, v27;
	v33 =	vld [tilespmem:s13+$0xFFFFFFF0];
	[tilespmem:v13+s10+$0x0] =	vst.idx.msk $0xffff, v2  }
0xf2: {  	v11 =	vmul.u32 $0x1400, v11;
	[tilespmem:v17+s10+$0x0] =	vst.idx.msk $0xffff, v2;
	v34 =	vor.u32 v8, v31;
	v16 =	vadd.s32 s30, v16;
	v39 =	vld [tilespmem:s15+$0x70]  }
0xf3: {  	v35 =	vadd.s32 s29, v32;
	v18 =	vmul.u32 $0x1400, v30;
	v16 =	vor.u32 v8, v16;
	[tilespmem:v10+s10+$0x0] =	vst.idx.msk $0xffff, v2;
	v10 =	vld [tilespmem:s14+$0x70]  }
0xf4: {  	v11 =	vadd.s32 s19, v11;
	v37 =	vor.u32 v8, v35;
	v14 =	vmul.u32 $0x1400, v25;
	v36 =	vld [tilespmem:s14+$0xFFFFFFF0]  }
0xf5: {  	v11 =	vor.u32 v9, v11;
	v28 =	vld [tilespmem:s12+$0xFFFFFFF0];
	v18 =	vadd.s32 s21, v18;
	[tilespmem:v29+s10+$0x0] =	vst.idx.msk $0xffff, v2;
	v19 =	vmul.u32 $0x1400, v26  }
0xf6: {  	[tilespmem:v15+s10+$0x0] =	vst.idx.msk $0xffff, v2;
	v18 =	vor.u32 v9, v18;
	v43 =	vmul.u32 $0x1400, v33;
	v40 =	vld [tilespmem:s15+$0xFFFFFFF0];
	v14 =	vadd.s32 s9, v14  }
0xf7: {  	v44 =	vld [tilespmem:s16+$0x70];
	[tilespmem:v34+s10+$0x0] =	vst.idx.msk $0xffff, v2;
	v12 =	vmul.u32 $0x1400, v39;
	v19 =	vadd.s32 s4, v19;
	v14 =	vor.u32 v8, v14  }
0xf8: {  	v45 =	vld [tilespmem:s16+$0xFFFFFFF0];
	v46 =	vadd.s32 s20, v43;
	[tilespmem:v16+s10+$0x0] =	vst.idx.msk $0xffff, v2;
	v41 =	vor.u32 v8, v19;
	v10 =	vmul.u32 $0x1400, v10  }
0xf9: {  	[tilespmem:v37+s10+$0x0] =	vst.idx.msk $0xffff, v2;
	v16 =	vor.u32 v9, v46;
	v48 =	vld [tilespmem:s17+$0x70];
	v12 =	vadd.s32 s25, v12;
	v47 =	vmul.u32 $0x1400, v36  }
0xfa: {  	[tilespmem:v11+s10+$0x0] =	vst.idx.msk $0xffff, v2;
	v38 =	vmul.u32 $0x1400, v28;
	v49 =	vld [tilespmem:s17+$0xFFFFFFF0];
	v12 =	vor.u32 v9, v12;
	v10 =	vadd.s32 s23, v10  }
0xfb: {  	[tilespmem:v18+s10+$0x0] =	vst.idx.msk $0xffff, v2;
	v51 =	vmul.u32 $0x1400, v40;
	v50 =	vadd.s32 s22, v47;
	v10 =	vor.u32 v9, v10  }
0xfc: {  	v42 =	vadd.s32 s18, v38;
	v53 =	vmul.u32 $0x1400, v44;
	[tilespmem:v14+s10+$0x0] =	vst.idx.msk $0xffff, v2;
	v11 =	vor.u32 v9, v50  }
0xfd: {  	v19 =	vor.u32 v9, v42;
	v56 =	vmul.u32 $0x1400, v45;
	v55 =	vadd.s32 s24, v51;
	[tilespmem:v41+s10+$0x0] =	vst.idx.msk $0xffff, v2;
	v52 =	vld [tilespmem:s31+$0x70]  }
0xfe: {  	[tilespmem:v16+s10+$0x0] =	vst.idx.msk $0xffff, v2;
	v13 =	vmul.u32 $0x1400, v48;
	v14 =	vadd.s32 s26, v53;
	v57 =	vor.u32 v9, v55;
	v54 =	vld [tilespmem:s31+$0xFFFFFFF0]  }
0xff: {  	v59 =	vmul.u32 $0x1400, v49;
	v58 =	vadd.s32 s28, v56;
	[tilespmem:v12+s10+$0x0] =	vst.idx.msk $0xffff, v2;
	v14 =	vor.u32 v9, v14  }
0x100: {  	v13 =	vadd.s32 s30, v13;
	[tilespmem:v10+s10+$0x0] =	vst.idx.msk $0xffff, v2;
	v10 =	vor.u32 v9, v58  }
0x101: {  	v13 =	vor.u32 v9, v13;
	[tilespmem:v11+s10+$0x0] =	vst.idx.msk $0xffff, v2;
	v11 =	vadd.s32 s29, v59  }
0x102: {  	[tilespmem:v19+s10+$0x0] =	vst.idx.msk $0xffff, v2;
	v15 =	vmul.u32 $0x1400, v52;
	v11 =	vor.u32 v9, v11  }
0x103: {  	[tilespmem:v57+s10+$0x0] =	vst.idx.msk $0xffff, v2;
	v60 =	vmul.u32 $0x1400, v54  }
0x104: {  	[tilespmem:v14+s10+$0x0] =	vst.idx.msk $0xffff, v2;
	v61 =	vadd.s32 s9, v15  }
0x105: {  	v62 =	vadd.s32 s4, v60;
	v12 =	vor.u32 v9, v61;
	[tilespmem:v10+s10+$0x0] =	vst.idx.msk $0xffff, v2  }
0x106: {  	v63 =	vor.u32 v9, v62;
	s13 =	rddreg [dreg:$0x7];
	[tilespmem:v13+s10+$0x0] =	vst.idx.msk $0xffff, v2  }
0x107: {  	s2 =	smul.u32 $0x28000, s13;
	[tilespmem:v11+s10+$0x0] =	vst.idx.msk $0xffff, v2  }
0x108: {  	s29 =	rddreg [dreg:$0x4]  }
0x109: {  	s2 =	sor.u32 s29, s2  }
0x10a: {  	s30 =	rddreg [dreg:$0x1];
	[tilespmem:v12+s10+$0x0] =	vst.idx.msk $0xffff, v2;
	s2 =	sshrl.u32 s2, $0x3  }
0x10b: {  	s31 =	simm.s32 $0x6400;
	s9 =	simm.s32 $0x5000;
	[tilespmem:v63+s10+$0x0] =	vst.idx.msk $0xffff, v2;
	s4 =	sadd.s32 s30, s2  }
0x10c: {  	[hbm4b:s4+s7] =	stream.strided.scatter [tilespmem:s31], [sflag:$0x1], $0x1400, s8, s7, $0x38;
	[tilespmem:$0x1F400] =	vst v63  }
.LBB2_7:
0x10d: {  	p0 =	sne.s32 s9, $0x5F000  }
.Ltmp2:
0x10e: {  	_ = 	snop;
	(pc) =	sbr.rel @p0 .LBB2_7-.Ltmp2, $4  }
0x10f: {  	_ = 	snop  }
0x110: {  	s2 =	sshra.s32 s9, $0x2;
	s9 =	sadd.s32 $0x5000, s9  }
0x111: {  	s4 =	sadd.s32 $0x19000, s4;
	s2 =	sadd.s32 $0x6400, s2  }
0x112: {  	[hbm4b:s4+s7] =	stream.strided.scatter [tilespmem:s2], [sflag:$0x1], $0x1400, s8, s7, $0x38;
	[tilespmem:$0x1F400] =	vst v63  }
0x113: {  	s2 =	simm.s32 $0x1  }
0x114: {  	_ =	swait.ge [sflag:s2], $0x19000  }
0x115: {  	[sflag:s2] =	ssyncset.done $0x0  }
0x116: {  	s14 =	rddreg [dreg:$0x8];
	[sflag:s2] =	ssyncadd.s32 $0xFFFE7000  }
0x117: {  	v10 =	vld [tilespmem:s14+$0x0]  }
0x118: {  	v11 =	vld [tilespmem:s14+$0xFFFFFF80];
	_ =	sdelay $0x3  }
0x119: {  	v10 =	vmul.u32 $0x1400, v10  }
0x11a: {  	s19 =	simm.s32 $0x80;
	v11 =	vmul.u32 $0x1400, v11  }
0x11b: {  	s18 =	simm.s32 $0x0;
	v10 =	vadd.s32 s19, v10  }
0x11c: {  	v11 =	vadd.s32 s18, v11;
	v10 =	vor.u32 v0, v10  }
0x11d: {  	v11 =	vor.u32 v0, v11;
	_ =	sdelay $0x3  }
0x11e: {  	[tilespmem:v10+s10+$0x0] =	vst.idx.msk $0xffff, v1  }
0x11f: {  	[tilespmem:v11+s10+$0x0] =	vst.idx.msk $0xffff, v1;
	v10 =	vld [tilespmem:s14+$0x10]  }
0x120: {  	v11 =	vld [tilespmem:s14+$0xFFFFFF90]  }
0x121: {  	v12 =	vld [tilespmem:s3+$0x0]  }
0x122: {  	v13 =	vld [tilespmem:s3+$0xFFFFFF80];
	_ =	sdelay $0x1  }
0x123: {  	v10 =	vmul.u32 $0x1400, v10  }
0x124: {  	v11 =	vmul.u32 $0x1400, v11  }
0x125: {  	v12 =	vmul.u32 $0x1400, v12;
	v10 =	vadd.s32 s19, v10  }
0x126: {  	s21 =	simm.s32 $0x180;
	v13 =	vmul.u32 $0x1400, v13;
	v11 =	vadd.s32 s18, v11;
	v10 =	vor.u32 v3, v10  }
0x127: {  	s20 =	simm.s32 $0x100;
	v12 =	vadd.s32 s21, v12;
	v11 =	vor.u32 v3, v11  }
0x128: {  	v13 =	vadd.s32 s20, v13;
	v12 =	vor.u32 v0, v12  }
0x129: {  	v13 =	vor.u32 v0, v13;
	_ =	sdelay $0x1  }
0x12a: {  	[tilespmem:v10+s10+$0x0] =	vst.idx.msk $0xffff, v1  }
0x12b: {  	[tilespmem:v11+s10+$0x0] =	vst.idx.msk $0xffff, v1;
	v10 =	vld [tilespmem:s14+$0x20]  }
0x12c: {  	[tilespmem:v12+s10+$0x0] =	vst.idx.msk $0xffff, v1;
	v11 =	vld [tilespmem:s14+$0xFFFFFFA0]  }
0x12d: {  	[tilespmem:v13+s10+$0x0] =	vst.idx.msk $0xffff, v1;
	v12 =	vld [tilespmem:s3+$0x10]  }
0x12e: {  	v13 =	vld [tilespmem:s3+$0xFFFFFF90]  }
0x12f: {  	v14 =	vld [tilespmem:s6+$0x0]  }
0x130: {  	v15 =	vld [tilespmem:s6+$0xFFFFFF80];
	v10 =	vmul.u32 $0x1400, v10  }
0x131: {  	v11 =	vmul.u32 $0x1400, v11  }
0x132: {  	v12 =	vmul.u32 $0x1400, v12;
	v10 =	vadd.s32 s19, v10  }
0x133: {  	v13 =	vmul.u32 $0x1400, v13;
	v11 =	vadd.s32 s18, v11;
	v10 =	vor.u32 v4, v10  }
0x134: {  	v14 =	vmul.u32 $0x1400, v14;
	v12 =	vadd.s32 s21, v12;
	v11 =	vor.u32 v4, v11  }
0x135: {  	s23 =	simm.s32 $0x280;
	v15 =	vmul.u32 $0x1400, v15;
	v13 =	vadd.s32 s20, v13;
	v12 =	vor.u32 v3, v12  }
0x136: {  	s22 =	simm.s32 $0x200;
	v14 =	vadd.s32 s23, v14;
	v13 =	vor.u32 v3, v13  }
0x137: {  	v15 =	vadd.s32 s22, v15;
	v14 =	vor.u32 v0, v14  }
0x138: {  	v15 =	vor.u32 v0, v15;
	[tilespmem:v10+s10+$0x0] =	vst.idx.msk $0xffff, v1  }
0x139: {  	[tilespmem:v11+s10+$0x0] =	vst.idx.msk $0xffff, v1;
	v10 =	vld [tilespmem:s14+$0x30]  }
0x13a: {  	[tilespmem:v12+s10+$0x0] =	vst.idx.msk $0xffff, v1;
	v11 =	vld [tilespmem:s14+$0xFFFFFFB0]  }
0x13b: {  	[tilespmem:v13+s10+$0x0] =	vst.idx.msk $0xffff, v1;
	v12 =	vld [tilespmem:s3+$0x20]  }
0x13c: {  	[tilespmem:v14+s10+$0x0] =	vst.idx.msk $0xffff, v1;
	v13 =	vld [tilespmem:s3+$0xFFFFFFA0]  }
0x13d: {  	[tilespmem:v15+s10+$0x0] =	vst.idx.msk $0xffff, v1;
	v14 =	vld [tilespmem:s6+$0x10]  }
0x13e: {  	v15 =	vld [tilespmem:s6+$0xFFFFFF90];
	v10 =	vmul.u32 $0x1400, v10  }
0x13f: {  	v16 =	vld [tilespmem:s5+$0x0];
	v11 =	vmul.u32 $0x1400, v11  }
0x140: {  	v17 =	vld [tilespmem:s5+$0xFFFFFF80];
	v12 =	vmul.u32 $0x1400, v12;
	v10 =	vadd.s32 s19, v10  }
0x141: {  	v13 =	vmul.u32 $0x1400, v13;
	v11 =	vadd.s32 s18, v11;
	v10 =	vor.u32 v5, v10  }
0x142: {  	v14 =	vmul.u32 $0x1400, v14;
	v12 =	vadd.s32 s21, v12;
	v11 =	vor.u32 v5, v11  }
0x143: {  	v15 =	vmul.u32 $0x1400, v15;
	v13 =	vadd.s32 s20, v13;
	v12 =	vor.u32 v4, v12  }
0x144: {  	v16 =	vmul.u32 $0x1400, v16;
	v14 =	vadd.s32 s23, v14;
	v13 =	vor.u32 v4, v13  }
0x145: {  	s25 =	simm.s32 $0x380;
	v17 =	vmul.u32 $0x1400, v17;
	v15 =	vadd.s32 s22, v15;
	v14 =	vor.u32 v3, v14  }
0x146: {  	s24 =	simm.s32 $0x300;
	v16 =	vadd.s32 s25, v16;
	v15 =	vor.u32 v3, v15;
	[tilespmem:v10+s10+$0x0] =	vst.idx.msk $0xffff, v1  }
0x147: {  	v16 =	vor.u32 v0, v16;
	v10 =	vadd.s32 s24, v17;
	[tilespmem:v11+s10+$0x0] =	vst.idx.msk $0xffff, v1;
	v11 =	vld [tilespmem:s14+$0x40]  }
0x148: {  	[tilespmem:v12+s10+$0x0] =	vst.idx.msk $0xffff, v1;
	v10 =	vor.u32 v0, v10;
	v12 =	vld [tilespmem:s14+$0xFFFFFFC0]  }
0x149: {  	[tilespmem:v13+s10+$0x0] =	vst.idx.msk $0xffff, v1;
	v13 =	vld [tilespmem:s3+$0x30]  }
0x14a: {  	[tilespmem:v14+s10+$0x0] =	vst.idx.msk $0xffff, v1;
	v14 =	vld [tilespmem:s3+$0xFFFFFFB0]  }
0x14b: {  	[tilespmem:v15+s10+$0x0] =	vst.idx.msk $0xffff, v1;
	v15 =	vld [tilespmem:s6+$0x20]  }
0x14c: {  	[tilespmem:v16+s10+$0x0] =	vst.idx.msk $0xffff, v1;
	v16 =	vld [tilespmem:s6+$0xFFFFFFA0];
	v11 =	vmul.u32 $0x1400, v11  }
0x14d: {  	[tilespmem:v10+s10+$0x0] =	vst.idx.msk $0xffff, v1;
	v10 =	vld [tilespmem:s5+$0x10];
	v12 =	vmul.u32 $0x1400, v12  }
0x14e: {  	v13 =	vmul.u32 $0x1400, v13;
	v17 =	vld [tilespmem:s5+$0xFFFFFF90];
	v11 =	vadd.s32 s19, v11  }
0x14f: {  	v18 =	vld [tilespmem:s1+$0x0];
	v14 =	vmul.u32 $0x1400, v14;
	v12 =	vadd.s32 s18, v12;
	v11 =	vor.u32 v6, v11  }
0x150: {  	v19 =	vld [tilespmem:s1+$0xFFFFFF80];
	v15 =	vmul.u32 $0x1400, v15;
	v13 =	vadd.s32 s21, v13;
	v12 =	vor.u32 v6, v12  }
0x151: {  	v16 =	vmul.u32 $0x1400, v16;
	v14 =	vadd.s32 s20, v14;
	v13 =	vor.u32 v5, v13  }
0x152: {  	v15 =	vadd.s32 s23, v15;
	v14 =	vor.u32 v5, v14;
	v10 =	vmul.u32 $0x1400, v10  }
0x153: {  	v16 =	vadd.s32 s22, v16;
	v15 =	vor.u32 v4, v15;
	v17 =	vmul.u32 $0x1400, v17  }
0x154: {  	v18 =	vmul.u32 $0x1400, v18;
	v16 =	vor.u32 v4, v16;
	v10 =	vadd.s32 s25, v10;
	[tilespmem:v11+s10+$0x0] =	vst.idx.msk $0xffff, v1  }
0x155: {  	s26 =	simm.s32 $0x480;
	v11 =	vmul.u32 $0x1400, v19;
	v17 =	vadd.s32 s24, v17;
	v10 =	vor.u32 v3, v10;
	[tilespmem:v12+s10+$0x0] =	vst.idx.msk $0xffff, v1;
	v12 =	vld [tilespmem:s14+$0x50]  }
0x156: {  	s28 =	simm.s32 $0x400;
	v18 =	vadd.s32 s26, v18;
	[tilespmem:v13+s10+$0x0] =	vst.idx.msk $0xffff, v1;
	v17 =	vor.u32 v3, v17;
	v13 =	vld [tilespmem:s14+$0xFFFFFFD0]  }
0x157: {  	v18 =	vor.u32 v0, v18;
	[tilespmem:v14+s10+$0x0] =	vst.idx.msk $0xffff, v1;
	v14 =	vld [tilespmem:s3+$0x40];
	v11 =	vadd.s32 s28, v11  }
0x158: {  	[tilespmem:v15+s10+$0x0] =	vst.idx.msk $0xffff, v1;
	v15 =	vld [tilespmem:s3+$0xFFFFFFC0];
	v11 =	vor.u32 v0, v11  }
0x159: {  	[tilespmem:v16+s10+$0x0] =	vst.idx.msk $0xffff, v1;
	v16 =	vld [tilespmem:s6+$0x30]  }
0x15a: {  	[tilespmem:v10+s10+$0x0] =	vst.idx.msk $0xffff, v1;
	v10 =	vld [tilespmem:s6+$0xFFFFFFB0];
	v12 =	vmul.u32 $0x1400, v12  }
0x15b: {  	[tilespmem:v17+s10+$0x0] =	vst.idx.msk $0xffff, v1;
	v17 =	vld [tilespmem:s5+$0x20];
	v13 =	vmul.u32 $0x1400, v13  }
0x15c: {  	[tilespmem:v18+s10+$0x0] =	vst.idx.msk $0xffff, v1;
	v14 =	vmul.u32 $0x1400, v14;
	v18 =	vld [tilespmem:s5+$0xFFFFFFA0];
	v12 =	vadd.s32 s19, v12  }
0x15d: {  	v15 =	vmul.u32 $0x1400, v15;
	[tilespmem:v11+s10+$0x0] =	vst.idx.msk $0xffff, v1;
	v11 =	vld [tilespmem:s1+$0x10];
	v13 =	vadd.s32 s18, v13;
	v12 =	vor.u32 v7, v12  }
0x15e: {  	v16 =	vmul.u32 $0x1400, v16;
	v14 =	vadd.s32 s21, v14;
	v19 =	vld [tilespmem:s1+$0xFFFFFF90];
	v13 =	vor.u32 v7, v13  }
0x15f: {  	v20 =	vld [tilespmem:s0+$0x0];
	v15 =	vadd.s32 s20, v15;
	v14 =	vor.u32 v6, v14;
	v10 =	vmul.u32 $0x1400, v10  }
0x160: {  	v21 =	vld [tilespmem:s0+$0xFFFFFF80];
	v16 =	vadd.s32 s23, v16;
	v15 =	vor.u32 v6, v15;
	v17 =	vmul.u32 $0x1400, v17  }
0x161: {  	v16 =	vor.u32 v5, v16;
	v18 =	vmul.u32 $0x1400, v18;
	v10 =	vadd.s32 s22, v10  }
0x162: {  	v11 =	vmul.u32 $0x1400, v11;
	v17 =	vadd.s32 s25, v17;
	v10 =	vor.u32 v5, v10;
	[tilespmem:v12+s10+$0x0] =	vst.idx.msk $0xffff, v1  }
0x163: {  	v12 =	vmul.u32 $0x1400, v19;
	v18 =	vadd.s32 s24, v18;
	v17 =	vor.u32 v4, v17;
	[tilespmem:v13+s10+$0x0] =	vst.idx.msk $0xffff, v1;
	v13 =	vld [tilespmem:s14+$0x60]  }
0x164: {  	[tilespmem:v14+s10+$0x0] =	vst.idx.msk $0xffff, v1;
	v19 =	vmul.u32 $0x1400, v20;
	v11 =	vadd.s32 s26, v11;
	v18 =	vor.u32 v4, v18;
	v14 =	vld [tilespmem:s14+$0xFFFFFFE0]  }
0x165: {  	s30 =	simm.s32 $0x580;
	[tilespmem:v15+s10+$0x0] =	vst.idx.msk $0xffff, v1;
	v15 =	vld [tilespmem:s3+$0x50];
	v20 =	vmul.u32 $0x1400, v21;
	v12 =	vadd.s32 s28, v12;
	v11 =	vor.u32 v3, v11  }
0x166: {  	s29 =	simm.s32 $0x500;
	[tilespmem:v16+s10+$0x0] =	vst.idx.msk $0xffff, v1;
	v21 =	vld [tilespmem:s3+$0xFFFFFFD0];
	v19 =	vadd.s32 s30, v19;
	v12 =	vor.u32 v3, v12  }
0x167: {  	v16 =	vadd.s32 s29, v20;
	v20 =	vld [tilespmem:s6+$0x40];
	v19 =	vor.u32 v0, v19;
	[tilespmem:v10+s10+$0x0] =	vst.idx.msk $0xffff, v1  }
0x168: {  	v22 =	vor.u32 v0, v16;
	[tilespmem:v17+s10+$0x0] =	vst.idx.msk $0xffff, v1;
	v23 =	vld [tilespmem:s6+$0xFFFFFFC0];
	v10 =	vmul.u32 $0x1400, v13  }
0x169: {  	[tilespmem:v18+s10+$0x0] =	vst.idx.msk $0xffff, v1;
	v18 =	vld [tilespmem:s5+$0x30];
	v13 =	vmul.u32 $0x1400, v14  }
0x16a: {  	[tilespmem:v11+s10+$0x0] =	vst.idx.msk $0xffff, v1;
	v14 =	vld [tilespmem:s5+$0xFFFFFFB0];
	v11 =	vmul.u32 $0x1400, v15;
	v10 =	vadd.s32 s19, v10  }
0x16b: {  	[tilespmem:v12+s10+$0x0] =	vst.idx.msk $0xffff, v1;
	v16 =	vld [tilespmem:s1+$0x20];
	v12 =	vmul.u32 $0x1400, v21;
	v13 =	vadd.s32 s18, v13;
	v10 =	vor.u32 v8, v10  }
0x16c: {  	v15 =	vmul.u32 $0x1400, v20;
	[tilespmem:v19+s10+$0x0] =	vst.idx.msk $0xffff, v1;
	v17 =	vld [tilespmem:s1+$0xFFFFFFA0];
	v19 =	vadd.s32 s21, v11;
	v11 =	vor.u32 v8, v13  }
0x16d: {  	[tilespmem:v22+s10+$0x0] =	vst.idx.msk $0xffff, v1;
	v21 =	vld [tilespmem:s0+$0x10];
	v23 =	vmul.u32 $0x1400, v23;
	v12 =	vadd.s32 s20, v12;
	v13 =	vor.u32 v7, v19  }
0x16e: {  	s31 =	sadd.s32 $0x100, s0;
	v20 =	vld [tilespmem:s0+$0xFFFFFF90];
	v24 =	vadd.s32 s23, v15;
	v18 =	vmul.u32 $0x1400, v18;
	v12 =	vor.u32 v7, v12  }
0x16f: {  	s9 =	simm.s32 $0xC;
	s4 =	simm.s32 $0xE;
	s12 =	smov.u32 s14;
	v22 =	vld [tilespmem:s31+$0x0];
	v19 =	vmul.u32 $0x1400, v14;
	v15 =	vadd.s32 s22, v23;
	v14 =	vor.u32 v6, v24  }
.LBB2_9:
0x170: {  	p0 =	slt.u32 s4, $0x26;
	v23 =	vld [tilespmem:s31+$0xFFFFFF80];
	v16 =	vmul.u32 $0x1400, v16;
	v18 =	vadd.s32 s25, v18;
	v15 =	vor.u32 v6, v15;
	[tilespmem:v10+s10+$0x0] =	vst.idx.msk $0xffff, v1  }
0x171: {  	v10 =	vmul.u32 $0x1400, v17;
	v17 =	vadd.s32 s24, v19;
	v18 =	vor.u32 v5, v18;
	[tilespmem:v11+s10+$0x0] =	vst.idx.msk $0xffff, v1;
	v11 =	vld [tilespmem:s12+$0x70]  }
0x172: {  	v19 =	vmul.u32 $0x1400, v21;
	v16 =	vadd.s32 s26, v16;
	v17 =	vor.u32 v5, v17;
	[tilespmem:v13+s10+$0x0] =	vst.idx.msk $0xffff, v1;
	v13 =	vld [tilespmem:s12+$0xFFFFFFF0];
	s12 =	smov.u32 s3;
	s3 =	smov.u32 s6;
	s6 =	smov.u32 s5  }
0x173: {  	s5 =	smov.u32 s1;
	s1 =	smov.u32 s0;
	s0 =	smov.u32 s31;
	v20 =	vmul.u32 $0x1400, v20;
	v10 =	vadd.s32 s28, v10;
	v16 =	vor.u32 v4, v16;
	[tilespmem:v12+s10+$0x0] =	vst.idx.msk $0xffff, v1;
	v12 =	vld [tilespmem:s12+$0x60]  }
0x174: {  	s2 =	sshll.u32 s9, $0x7;
	s9 =	smov.u32 s4;
	v21 =	vmul.u32 $0x1400, v22;
	v19 =	vadd.s32 s30, v19;
	v10 =	vor.u32 v4, v10;
	[tilespmem:v14+s10+$0x0] =	vst.idx.msk $0xffff, v1;
	v14 =	vld [tilespmem:s12+$0xFFFFFFE0]  }
0x175: {  	s11 =	sadd.s32 $0x80, s2;
	v22 =	vmul.u32 $0x1400, v23;
	v20 =	vadd.s32 s29, v20;
	v19 =	vor.u32 v3, v19;
	[tilespmem:v15+s10+$0x0] =	vst.idx.msk $0xffff, v1;
	v15 =	vld [tilespmem:s3+$0x50]  }
0x176: {  	v21 =	vadd.s32 s11, v21;
	v20 =	vor.u32 v3, v20;
	[tilespmem:v18+s10+$0x0] =	vst.idx.msk $0xffff, v1;
	v18 =	vld [tilespmem:s3+$0xFFFFFFD0];
	v11 =	vmul.u32 $0x1400, v11  }
0x177: {  	v22 =	vadd.s32 s2, v22;
	v21 =	vor.u32 v0, v21;
	[tilespmem:v17+s10+$0x0] =	vst.idx.msk $0xffff, v1;
	v23 =	vld [tilespmem:s6+$0x40];
	v13 =	vmul.u32 $0x1400, v13  }
0x178: {  	v22 =	vor.u32 v0, v22;
	[tilespmem:v16+s10+$0x0] =	vst.idx.msk $0xffff, v1;
	v24 =	vld [tilespmem:s6+$0xFFFFFFC0];
	v12 =	vmul.u32 $0x1400, v12;
	v11 =	vadd.s32 s19, v11;
	s19 =	smov.u32 s21;
	s21 =	smov.u32 s23;
	s23 =	smov.u32 s25  }
0x179: {  	[tilespmem:v10+s10+$0x0] =	vst.idx.msk $0xffff, v1;
	v25 =	vld [tilespmem:s5+$0x30];
	v10 =	vmul.u32 $0x1400, v14;
	v13 =	vadd.s32 s18, v13;
	v14 =	vor.u32 v9, v11;
	s18 =	smov.u32 s20;
	s20 =	smov.u32 s22;
	s22 =	smov.u32 s24  }
0x17a: {  	s24 =	smov.u32 s28;
	s28 =	smov.u32 s29;
	s29 =	smov.u32 s2;
	[tilespmem:v19+s10+$0x0] =	vst.idx.msk $0xffff, v1;
	v19 =	vld [tilespmem:s5+$0xFFFFFFB0];
	v11 =	vmul.u32 $0x1400, v15;
	v12 =	vadd.s32 s19, v12;
	v26 =	vor.u32 v9, v13  }
.Ltmp3:
0x17b: {  	s25 =	smov.u32 s26;
	s26 =	smov.u32 s30;
	[tilespmem:v20+s10+$0x0] =	vst.idx.msk $0xffff, v1;
	v16 =	vld [tilespmem:s1+$0x20];
	v13 =	vmul.u32 $0x1400, v18;
	v15 =	vadd.s32 s18, v10;
	v10 =	vor.u32 v8, v12;
	(pc) =	sbr.rel @p0 .LBB2_9-.Ltmp3, $4  }
0x17c: {  	s30 =	smov.u32 s11;
	[tilespmem:v21+s10+$0x0] =	vst.idx.msk $0xffff, v1;
	v17 =	vld [tilespmem:s1+$0xFFFFFFA0];
	v12 =	vmul.u32 $0x1400, v23;
	v18 =	vadd.s32 s21, v11;
	v11 =	vor.u32 v8, v15  }
0x17d: {  	[tilespmem:v22+s10+$0x0] =	vst.idx.msk $0xffff, v1;
	v21 =	vld [tilespmem:s31+$0x10];
	v15 =	vmul.u32 $0x1400, v24;
	v22 =	vadd.s32 s20, v13;
	v13 =	vor.u32 v7, v18  }
0x17e: {  	s31 =	sadd.s32 $0x100, s31;
	v20 =	vld [tilespmem:s0+$0xFFFFFF90];
	v18 =	vmul.u32 $0x1400, v25;
	v23 =	vadd.s32 s23, v12;
	v12 =	vor.u32 v7, v22;
	[tilespmem:v14+s10+$0x0] =	vst.idx.msk $0xffff, v1  }
0x17f: {  	s4 =	sadd.s32 $0x2, s4;
	v22 =	vld [tilespmem:s31+$0x0];
	v19 =	vmul.u32 $0x1400, v19;
	v15 =	vadd.s32 s22, v15;
	v14 =	vor.u32 v6, v23;
	[tilespmem:v26+s10+$0x0] =	vst.idx.msk $0xffff, v1  }
0x180: {  	v23 =	vld [tilespmem:s31+$0xFFFFFF80];
	_ =	sdelay $0x3  }
0x181: {  	s4 =	sshll.u32 s9, $0x7;
	v22 =	vmul.u32 $0x1400, v22  }
0x182: {  	s9 =	sadd.s32 $0x80, s4;
	v23 =	vmul.u32 $0x1400, v23  }
0x183: {  	v22 =	vadd.s32 s9, v22  }
0x184: {  	v23 =	vadd.s32 s4, v23;
	v22 =	vor.u32 v0, v22  }
0x185: {  	v23 =	vor.u32 v0, v23;
	_ =	sdelay $0x3  }
0x186: {  	[tilespmem:v22+s10+$0x0] =	vst.idx.msk $0xffff, v1  }
0x187: {  	[tilespmem:v23+s10+$0x0] =	vst.idx.msk $0xffff, v1;
	v22 =	vld [tilespmem:s31+$0x10]  }
0x188: {  	v23 =	vld [tilespmem:s31+$0xFFFFFF90]  }
0x189: {  	v21 =	vmul.u32 $0x1400, v21;
	_ =	sdelay $0x1  }
0x18a: {  	v20 =	vmul.u32 $0x1400, v20;
	v21 =	vadd.s32 s30, v21  }
0x18b: {  	v21 =	vor.u32 v3, v21;
	v22 =	vmul.u32 $0x1400, v22  }
0x18c: {  	v20 =	vadd.s32 s29, v20;
	v23 =	vmul.u32 $0x1400, v23  }
0x18d: {  	v20 =	vor.u32 v3, v20;
	v22 =	vadd.s32 s9, v22  }
0x18e: {  	v23 =	vadd.s32 s4, v23;
	v22 =	vor.u32 v3, v22  }
0x18f: {  	v23 =	vor.u32 v3, v23  }
0x190: {  	[tilespmem:v21+s10+$0x0] =	vst.idx.msk $0xffff, v1  }
0x191: {  	v45 =	vld [tilespmem:s0+$0x20]  }
0x192: {  	[tilespmem:v20+s10+$0x0] =	vst.idx.msk $0xffff, v1  }
0x193: {  	v46 =	vld [tilespmem:s0+$0xFFFFFFA0];
	[tilespmem:v22+s10+$0x0] =	vst.idx.msk $0xffff, v1  }
0x194: {  	[tilespmem:v23+s10+$0x0] =	vst.idx.msk $0xffff, v1;
	v22 =	vld [tilespmem:s31+$0x20]  }
0x195: {  	v16 =	vmul.u32 $0x1400, v16;
	v23 =	vld [tilespmem:s31+$0xFFFFFFA0]  }
0x196: {  	v20 =	vmul.u32 $0x1400, v45  }
0x197: {  	v17 =	vmul.u32 $0x1400, v17;
	v16 =	vadd.s32 s26, v16  }
0x198: {  	v16 =	vor.u32 v4, v16;
	v21 =	vmul.u32 $0x1400, v46;
	v20 =	vadd.s32 s30, v20  }
0x199: {  	v17 =	vadd.s32 s28, v17;
	v20 =	vor.u32 v4, v20;
	v22 =	vmul.u32 $0x1400, v22  }
0x19a: {  	v17 =	vor.u32 v4, v17;
	v21 =	vadd.s32 s29, v21;
	v23 =	vmul.u32 $0x1400, v23  }
0x19b: {  	v21 =	vor.u32 v4, v21;
	v22 =	vadd.s32 s9, v22  }
0x19c: {  	v23 =	vadd.s32 s4, v23;
	v22 =	vor.u32 v4, v22  }
0x19d: {  	[tilespmem:v16+s10+$0x0] =	vst.idx.msk $0xffff, v1;
	v47 =	vor.u32 v4, v23  }
0x19e: {  	v48 =	vld [tilespmem:s1+$0x30];
	[tilespmem:v20+s10+$0x0] =	vst.idx.msk $0xffff, v1  }
0x19f: {  	[tilespmem:v17+s10+$0x0] =	vst.idx.msk $0xffff, v1;
	v20 =	vld [tilespmem:s0+$0x30]  }
0x1a0: {  	v18 =	vadd.s32 s25, v18;
	v49 =	vld [tilespmem:s1+$0xFFFFFFB0];
	[tilespmem:v21+s10+$0x0] =	vst.idx.msk $0xffff, v1  }
0x1a1: {  	v18 =	vor.u32 v5, v18;
	v21 =	vld [tilespmem:s0+$0xFFFFFFB0];
	[tilespmem:v22+s10+$0x0] =	vst.idx.msk $0xffff, v1  }
0x1a2: {  	[tilespmem:v47+s10+$0x0] =	vst.idx.msk $0xffff, v1;
	v50 =	vld [tilespmem:s31+$0x30]  }
0x1a3: {  	v17 =	vmul.u32 $0x1400, v48;
	v51 =	vld [tilespmem:s31+$0xFFFFFFB0]  }
0x1a4: {  	v19 =	vadd.s32 s24, v19;
	v20 =	vmul.u32 $0x1400, v20  }
0x1a5: {  	v19 =	vor.u32 v5, v19;
	v17 =	vadd.s32 s26, v17;
	v23 =	vmul.u32 $0x1400, v49  }
0x1a6: {  	[tilespmem:v18+s10+$0x0] =	vst.idx.msk $0xffff, v1;
	v17 =	vor.u32 v5, v17;
	v21 =	vmul.u32 $0x1400, v21;
	v20 =	vadd.s32 s30, v20  }
0x1a7: {  	v53 =	vld [tilespmem:s5+$0x40];
	v20 =	vor.u32 v5, v20;
	v23 =	vadd.s32 s28, v23;
	v16 =	vmul.u32 $0x1400, v50  }
0x1a8: {  	v21 =	vadd.s32 s29, v21;
	v23 =	vor.u32 v5, v23;
	v22 =	vmul.u32 $0x1400, v51  }
0x1a9: {  	v52 =	vor.u32 v5, v21;
	v16 =	vadd.s32 s9, v16  }
0x1aa: {  	[tilespmem:v19+s10+$0x0] =	vst.idx.msk $0xffff, v1;
	v54 =	vadd.s32 s4, v22;
	v16 =	vor.u32 v5, v16  }
0x1ab: {  	v55 =	vld [tilespmem:s5+$0xFFFFFFC0];
	[tilespmem:v17+s10+$0x0] =	vst.idx.msk $0xffff, v1;
	v56 =	vor.u32 v5, v54  }
0x1ac: {  	v19 =	vmul.u32 $0x1400, v53;
	v57 =	vld [tilespmem:s1+$0x40];
	[tilespmem:v20+s10+$0x0] =	vst.idx.msk $0xffff, v1  }
0x1ad: {  	v58 =	vld [tilespmem:s0+$0x40];
	[tilespmem:v23+s10+$0x0] =	vst.idx.msk $0xffff, v1  }
0x1ae: {  	v19 =	vadd.s32 s25, v19;
	[tilespmem:v52+s10+$0x0] =	vst.idx.msk $0xffff, v1;
	v23 =	vld [tilespmem:s1+$0xFFFFFFC0]  }
0x1af: {  	v19 =	vor.u32 v6, v19;
	v59 =	vld [tilespmem:s0+$0xFFFFFFC0];
	[tilespmem:v16+s10+$0x0] =	vst.idx.msk $0xffff, v1  }
0x1b0: {  	v60 =	vmul.u32 $0x1400, v55;
	[tilespmem:v56+s10+$0x0] =	vst.idx.msk $0xffff, v1;
	v61 =	vld [tilespmem:s31+$0x40]  }
0x1b1: {  	v15 =	vor.u32 v6, v15;
	v21 =	vmul.u32 $0x1400, v57;
	v62 =	vld [tilespmem:s31+$0xFFFFFFC0]  }
0x1b2: {  	v18 =	vmul.u32 $0x1400, v58;
	v16 =	vadd.s32 s24, v60  }
0x1b3: {  	v21 =	vadd.s32 s26, v21;
	v23 =	vmul.u32 $0x1400, v23;
	v16 =	vor.u32 v6, v16  }
0x1b4: {  	[tilespmem:v19+s10+$0x0] =	vst.idx.msk $0xffff, v1;
	v21 =	vor.u32 v6, v21;
	v20 =	vmul.u32 $0x1400, v59;
	v18 =	vadd.s32 s30, v18  }
0x1b5: {  	[tilespmem:v14+s10+$0x0] =	vst.idx.msk $0xffff, v1;
	v27 =	vld [tilespmem:s5+$0x50];
	v18 =	vor.u32 v6, v18;
	v23 =	vadd.s32 s28, v23;
	v17 =	vmul.u32 $0x1400, v61  }
0x1b6: {  	v24 =	vld [tilespmem:s6+$0x50];
	[tilespmem:v15+s10+$0x0] =	vst.idx.msk $0xffff, v1;
	v20 =	vadd.s32 s29, v20;
	v63 =	vor.u32 v6, v23;
	v22 =	vmul.u32 $0x1400, v62  }
0x1b7: {  	v25 =	vld [tilespmem:s6+$0xFFFFFFD0];
	v26 =	vor.u32 v6, v20;
	v17 =	vadd.s32 s9, v17  }
0x1b8: {  	[tilespmem:v16+s10+$0x0] =	vst.idx.msk $0xffff, v1;
	v28 =	vadd.s32 s4, v22;
	v17 =	vor.u32 v6, v17  }
0x1b9: {  	[tilespmem:v21+s10+$0x0] =	vst.idx.msk $0xffff, v1;
	v29 =	vld [tilespmem:s5+$0xFFFFFFD0];
	v20 =	vor.u32 v6, v28  }
0x1ba: {  	v30 =	vld [tilespmem:s1+$0x50];
	[tilespmem:v18+s10+$0x0] =	vst.idx.msk $0xffff, v1;
	v16 =	vmul.u32 $0x1400, v27  }
0x1bb: {  	v15 =	vmul.u32 $0x1400, v24;
	v33 =	vld [tilespmem:s0+$0x50];
	[tilespmem:v63+s10+$0x0] =	vst.idx.msk $0xffff, v1  }
0x1bc: {  	v32 =	vmul.u32 $0x1400, v25;
	[tilespmem:v26+s10+$0x0] =	vst.idx.msk $0xffff, v1;
	v31 =	vld [tilespmem:s1+$0xFFFFFFD0];
	v16 =	vadd.s32 s25, v16  }
0x1bd: {  	v15 =	vadd.s32 s23, v15;
	v34 =	vld [tilespmem:s0+$0xFFFFFFD0];
	v16 =	vor.u32 v7, v16;
	[tilespmem:v17+s10+$0x0] =	vst.idx.msk $0xffff, v1  }
0x1be: {  	v15 =	vor.u32 v7, v15;
	v35 =	vadd.s32 s22, v32;
	v36 =	vmul.u32 $0x1400, v29;
	[tilespmem:v20+s10+$0x0] =	vst.idx.msk $0xffff, v1;
	v37 =	vld [tilespmem:s31+$0x50]  }
0x1bf: {  	v14 =	vmul.u32 $0x1400, v30;
	v17 =	vor.u32 v7, v35;
	v38 =	vld [tilespmem:s31+$0xFFFFFFD0]  }
0x1c0: {  	[tilespmem:v13+s10+$0x0] =	vst.idx.msk $0xffff, v1;
	v40 =	vmul.u32 $0x1400, v33;
	v18 =	vadd.s32 s24, v36  }
0x1c1: {  	[tilespmem:v12+s10+$0x0] =	vst.idx.msk $0xffff, v1;
	v41 =	vld [tilespmem:s3+$0x60];
	v14 =	vadd.s32 s26, v14;
	v21 =	vmul.u32 $0x1400, v31;
	v39 =	vor.u32 v7, v18  }
0x1c2: {  	v44 =	vld [tilespmem:s3+$0xFFFFFFE0];
	v14 =	vor.u32 v7, v14;
	v43 =	vmul.u32 $0x1400, v34;
	[tilespmem:v16+s10+$0x0] =	vst.idx.msk $0xffff, v1;
	v18 =	vadd.s32 s30, v40  }
0x1c3: {  	[tilespmem:v15+s10+$0x0] =	vst.idx.msk $0xffff, v1;
	v42 =	vadd.s32 s28, v21;
	v52 =	vld [tilespmem:s5+$0x60];
	v18 =	vor.u32 v7, v18;
	v46 =	vmul.u32 $0x1400, v37  }
0x1c4: {  	v47 =	vld [tilespmem:s6+$0x60];
	v48 =	vadd.s32 s29, v43;
	v45 =	vor.u32 v7, v42;
	[tilespmem:v17+s10+$0x0] =	vst.idx.msk $0xffff, v1;
	v49 =	vmul.u32 $0x1400, v38  }
0x1c5: {  	[tilespmem:v10+s10+$0x0] =	vst.idx.msk $0xffff, v1;
	v51 =	vor.u32 v7, v48;
	v50 =	vld [tilespmem:s6+$0xFFFFFFE0];
	v19 =	vadd.s32 s9, v46  }
0x1c6: {  	v12 =	vmul.u32 $0x1400, v41;
	[tilespmem:v39+s10+$0x0] =	vst.idx.msk $0xffff, v1;
	v53 =	vadd.s32 s4, v49;
	v19 =	vor.u32 v7, v19  }
0x1c7: {  	v56 =	vmul.u32 $0x1400, v44;
	[tilespmem:v14+s10+$0x0] =	vst.idx.msk $0xffff, v1;
	v54 =	vld [tilespmem:s5+$0xFFFFFFE0];
	v55 =	vor.u32 v7, v53  }
0x1c8: {  	v12 =	vadd.s32 s21, v12;
	v57 =	vld [tilespmem:s1+$0x60];
	v13 =	vmul.u32 $0x1400, v52;
	[tilespmem:v18+s10+$0x0] =	vst.idx.msk $0xffff, v1  }
0x1c9: {  	v12 =	vor.u32 v8, v12;
	v59 =	vadd.s32 s20, v56;
	[tilespmem:v45+s10+$0x0] =	vst.idx.msk $0xffff, v1;
	v17 =	vmul.u32 $0x1400, v47;
	v61 =	vld [tilespmem:s0+$0x60]  }
0x1ca: {  	[tilespmem:v51+s10+$0x0] =	vst.idx.msk $0xffff, v1;
	v58 =	vld [tilespmem:s1+$0xFFFFFFE0];
	v18 =	vor.u32 v8, v59;
	v13 =	vadd.s32 s25, v13;
	v60 =	vmul.u32 $0x1400, v50  }
0x1cb: {  	v62 =	vld [tilespmem:s0+$0xFFFFFFE0];
	v17 =	vadd.s32 s23, v17;
	v13 =	vor.u32 v8, v13;
	[tilespmem:v19+s10+$0x0] =	vst.idx.msk $0xffff, v1  }
0x1cc: {  	v17 =	vor.u32 v8, v17;
	v24 =	vmul.u32 $0x1400, v54;
	v63 =	vadd.s32 s22, v60;
	[tilespmem:v55+s10+$0x0] =	vst.idx.msk $0xffff, v1;
	v25 =	vld [tilespmem:s31+$0x60]  }
0x1cd: {  	[tilespmem:v11+s10+$0x0] =	vst.idx.msk $0xffff, v1;
	v15 =	vmul.u32 $0x1400, v57;
	v10 =	vor.u32 v8, v63;
	v26 =	vld [tilespmem:s31+$0xFFFFFFE0]  }
0x1ce: {  	v11 =	vld [tilespmem:s12+$0x70];
	[tilespmem:v12+s10+$0x0] =	vst.idx.msk $0xffff, v1;
	v16 =	vmul.u32 $0x1400, v61;
	v20 =	vadd.s32 s24, v24  }
0x1cf: {  	v30 =	vld [tilespmem:s3+$0x70];
	v15 =	vadd.s32 s26, v15;
	v27 =	vmul.u32 $0x1400, v58;
	[tilespmem:v18+s10+$0x0] =	vst.idx.msk $0xffff, v1;
	v29 =	vor.u32 v8, v20  }
0x1d0: {  	v15 =	vor.u32 v8, v15;
	v32 =	vmul.u32 $0x1400, v62;
	v33 =	vld [tilespmem:s3+$0xFFFFFFF0];
	[tilespmem:v13+s10+$0x0] =	vst.idx.msk $0xffff, v1;
	v16 =	vadd.s32 s30, v16  }
0x1d1: {  	v31 =	vadd.s32 s28, v27;
	[tilespmem:v17+s10+$0x0] =	vst.idx.msk $0xffff, v1;
	v39 =	vld [tilespmem:s5+$0x70];
	v16 =	vor.u32 v8, v16;
	v14 =	vmul.u32 $0x1400, v25  }
0x1d2: {  	v35 =	vadd.s32 s29, v32;
	v34 =	vor.u32 v8, v31;
	[tilespmem:v10+s10+$0x0] =	vst.idx.msk $0xffff, v1;
	v10 =	vld [tilespmem:s6+$0x70];
	v19 =	vmul.u32 $0x1400, v26  }
0x1d3: {  	v11 =	vmul.u32 $0x1400, v11;
	v37 =	vor.u32 v8, v35;
	v36 =	vld [tilespmem:s6+$0xFFFFFFF0];
	v14 =	vadd.s32 s9, v14  }
0x1d4: {  	v28 =	vld [tilespmem:s12+$0xFFFFFFF0];
	v18 =	vmul.u32 $0x1400, v30;
	[tilespmem:v29+s10+$0x0] =	vst.idx.msk $0xffff, v1;
	v19 =	vadd.s32 s4, v19;
	v14 =	vor.u32 v8, v14  }
0x1d5: {  	v11 =	vadd.s32 s19, v11;
	[tilespmem:v15+s10+$0x0] =	vst.idx.msk $0xffff, v1;
	v43 =	vmul.u32 $0x1400, v33;
	v40 =	vld [tilespmem:s5+$0xFFFFFFF0];
	v41 =	vor.u32 v8, v19  }
0x1d6: {  	v11 =	vor.u32 v9, v11;
	v44 =	vld [tilespmem:s1+$0x70];
	v18 =	vadd.s32 s21, v18;
	v12 =	vmul.u32 $0x1400, v39;
	[tilespmem:v16+s10+$0x0] =	vst.idx.msk $0xffff, v1  }
0x1d7: {  	v18 =	vor.u32 v9, v18;
	[tilespmem:v34+s10+$0x0] =	vst.idx.msk $0xffff, v1;
	v46 =	vadd.s32 s20, v43;
	v48 =	vld [tilespmem:s0+$0x70];
	v10 =	vmul.u32 $0x1400, v10  }
0x1d8: {  	[tilespmem:v37+s10+$0x0] =	vst.idx.msk $0xffff, v1;
	v45 =	vld [tilespmem:s1+$0xFFFFFFF0];
	v16 =	vor.u32 v9, v46;
	v12 =	vadd.s32 s25, v12;
	v47 =	vmul.u32 $0x1400, v36  }
0x1d9: {  	v38 =	vmul.u32 $0x1400, v28;
	v49 =	vld [tilespmem:s0+$0xFFFFFFF0];
	v12 =	vor.u32 v9, v12;
	v10 =	vadd.s32 s23, v10;
	[tilespmem:v14+s10+$0x0] =	vst.idx.msk $0xffff, v1  }
0x1da: {  	v51 =	vmul.u32 $0x1400, v40;
	v50 =	vadd.s32 s22, v47;
	v10 =	vor.u32 v9, v10;
	[tilespmem:v41+s10+$0x0] =	vst.idx.msk $0xffff, v1;
	v52 =	vld [tilespmem:s31+$0x70]  }
0x1db: {  	[tilespmem:v11+s10+$0x0] =	vst.idx.msk $0xffff, v1;
	v42 =	vadd.s32 s18, v38;
	v53 =	vmul.u32 $0x1400, v44;
	v11 =	vor.u32 v9, v50;
	v54 =	vld [tilespmem:s31+$0xFFFFFFF0]  }
0x1dc: {  	[tilespmem:v18+s10+$0x0] =	vst.idx.msk $0xffff, v1;
	v19 =	vor.u32 v9, v42;
	v13 =	vmul.u32 $0x1400, v48;
	v55 =	vadd.s32 s24, v51  }
0x1dd: {  	v56 =	vmul.u32 $0x1400, v45;
	[tilespmem:v16+s10+$0x0] =	vst.idx.msk $0xffff, v1;
	v14 =	vadd.s32 s26, v53;
	v57 =	vor.u32 v9, v55  }
0x1de: {  	v59 =	vmul.u32 $0x1400, v49;
	[tilespmem:v12+s10+$0x0] =	vst.idx.msk $0xffff, v1;
	v14 =	vor.u32 v9, v14;
	v13 =	vadd.s32 s30, v13  }
0x1df: {  	v58 =	vadd.s32 s28, v56;
	v13 =	vor.u32 v9, v13;
	[tilespmem:v10+s10+$0x0] =	vst.idx.msk $0xffff, v1;
	v15 =	vmul.u32 $0x1400, v52  }
0x1e0: {  	v10 =	vor.u32 v9, v58;
	[tilespmem:v11+s10+$0x0] =	vst.idx.msk $0xffff, v1;
	v11 =	vadd.s32 s29, v59;
	v60 =	vmul.u32 $0x1400, v54  }
0x1e1: {  	[tilespmem:v19+s10+$0x0] =	vst.idx.msk $0xffff, v1;
	v11 =	vor.u32 v9, v11;
	v61 =	vadd.s32 s9, v15  }
0x1e2: {  	s13 =	sadd.s32 $0x1, s13;
	[tilespmem:v57+s10+$0x0] =	vst.idx.msk $0xffff, v1;
	v62 =	vadd.s32 s4, v60;
	v12 =	vor.u32 v9, v61  }
0x1e3: {  	p0 =	sne.s32 s13, $0x5;
	[tilespmem:v14+s10+$0x0] =	vst.idx.msk $0xffff, v1;
	v63 =	vor.u32 v9, v62  }
.Ltmp4:
0x1e4: {  	[tilespmem:v13+s10+$0x0] =	vst.idx.msk $0xffff, v1;
	(pc) =	sbr.rel @p0 .LBB2_4-.Ltmp4, $4  }
0x1e5: {  	[tilespmem:v10+s10+$0x0] =	vst.idx.msk $0xffff, v1  }
0x1e6: {  	[tilespmem:v11+s10+$0x0] =	vst.idx.msk $0xffff, v1  }
0x1e7: {  	[tilespmem:v12+s10+$0x0] =	vst.idx.msk $0xffff, v1  }
0x1e8: {  	s14 =	sadd.s32 $0x1400, s14;
	[tilespmem:v63+s10+$0x0] =	vst.idx.msk $0xffff, v1  }
0x1e9: {  	s5 =	rddreg [dreg:$0x3]  }
0x1ea: {  	s0 =	rddreg [dreg:$0x6];
	s5 =	sadd.s32 $0x1, s5  }
0x1eb: {  	p0 =	sne.s32 s5, s0  }
.Ltmp5:
0x1ec: {  	_ = 	snop;
	(pc) =	sbr.rel @p0 .LBB2_1-.Ltmp5, $1  }
0x1ed: {  	_ =	sdelay $0x3  }
0x1ee: {  	_ =	sfence.sel $0x180000  }
0x1ef: {  	[bflag:$0x0] =	sbarrier.arrive $0xFFFF  }
0x1f0: {  	_ =	strace $0x90000047  }
0x1f1: {  	s0 =	stileid.u32;
	[bflag:$0x2] =	sbarrier.arrive $0xFFFF  }
0x1f2: {  	p0 =	sne.s32 s0, $0x0;
	s0 =	rddreg [dreg:$0x2]  }
0x1f3: {  	s0 =	sadd.s32 @!p0 $0x100000, s0  }
0x1f4: {  	[sflag:s0] =	ssyncadd.tile.s32 @!p0 $0x1;
	_ =	shalt  }
.Lfunc_end2:
_tile_overlayer_lowered:
.L_overlay_start_2:
0x1f5: {  	(tag) =	ssettag $0x2  }
0x1f6: {  	s0 =	rddreg [dreg:$0x0];
	s2 =	stileid.u32  }
0x1f7: {  	s1 =	rddreg [dreg:$0x1];
	p0 =	sne.s32 s2, $0x0  }
0x1f8: {  	s3 =	rddreg [dreg:$0x2];
	[bflag:$0x3] =	sbarrier.arrive $0xFFFF;
	s2 =	simm.s32 @!p0 $0x1C01  }
0x1f9: {  	[timem:s3], [sflag:s2] =	dma.local @!p0 [hbm:s0], s1  }
0x1fa: {  	s0 =	simm.s32 @!p0 $0x1  }
0x1fb: {  	_ =	swait.ge @!p0 [sflag:s0], s1  }
0x1fc: {  	s1 =	ssub.s32 @!p0 $0x0, s1;
	[sflag:s0] =	ssyncset.done @!p0 $0x0  }
0x1fd: {  	[sflag:s0] =	ssyncadd.s32 @!p0 s1  }
0x1fe: {  	[bflag:$0x3] =	sbarrier.arrive $0xFFFF  }
0x1ff: {  	_ =	shalt  }

</sc_bundles>
